<compile_context>
chip_gen: v7x
topology: tpu7x:2x2x1
jax: 0.10.2.dev20260603
libtpu: 0.0.44.dev20260713+nightly
codegen_flags: <defaults>
</compile_context>

<pallas_src>
import functools

import jax
import jax.numpy as jnp
from jax import lax
from jax.experimental import pallas as pl
from jax.experimental.pallas import tpu as pltpu
from jax.experimental.pallas import tpu_sc as plsc

D = 64
NSEQ = 4096
T = 200
SEGS = ((0, 104), (104, 96))
NW = 32
SEQ_PER_W = NSEQ // NW
S = 4
N_CHUNKS = SEQ_PER_W // S

_mesh = plsc.VectorSubcoreMesh(core_axis_name="c", subcore_axis_name="s")


@functools.partial(
    pl.kernel,
    mesh=_mesh,
    out_type=jax.ShapeDtypeStruct((NSEQ, T, D), jnp.float32),
    scratch_types=[
        pltpu.VMEM((S, T), jnp.int32),
        pltpu.VMEM((S, T), jnp.int32),
        pltpu.VMEM((S, T, D), jnp.float32),
        pltpu.VMEM((S, T, D), jnp.float32),
        pltpu.SemaphoreType.DMA,
        pltpu.SemaphoreType.DMA,
    ],
    compiler_params=pltpu.CompilerParams(use_tc_tiling_on_sc=False),
)
def _gather_kernel(table_hbm, idx_hbm, out_hbm, idx0, idx1, rows0, rows1,
                   gsem0, gsem1):
    wid = lax.axis_index("s") * 2 + lax.axis_index("c")
    seq_base = wid * SEQ_PER_W

    def fire(i, idx_buf, row_buf, sem):
        pltpu.sync_copy(idx_hbm.at[pl.ds(seq_base + i * S, S)], idx_buf)
        for s in range(S):
            for off, length in SEGS:
                pltpu.async_copy(
                    table_hbm.at[idx_buf.at[s, pl.ds(off, length)]],
                    row_buf.at[s, pl.ds(off, length)],
                    sem,
                )

    def drain(row_buf, sem):
        pltpu.make_async_copy(out_hbm.at[pl.ds(0, S)], row_buf, sem).wait()

    def writeback(row_buf, i):
        pltpu.sync_copy(row_buf, out_hbm.at[pl.ds(seq_base + i * S, S)])

    fire(0, idx0, rows0, gsem0)

    def body(t, _):
        a = 2 * t
        fire(a + 1, idx1, rows1, gsem1)
        drain(rows0, gsem0)
        writeback(rows0, a)

        @pl.when(a + 2 < N_CHUNKS)
        def _():
            fire(a + 2, idx0, rows0, gsem0)

        drain(rows1, gsem1)
        writeback(rows1, a + 1)
        return 0

    lax.fori_loop(0, N_CHUNKS // 2, body, 0)


def kernel(idx, embed_weight):
    return _gather_kernel(embed_weight, idx.astype(jnp.int32))

# --- scband reference (transcript-rebuilt; emitter-appended) ---
"""Pipeline reference for scband-value-embedding-63840393888392 (READ-ONLY COPY).

The authoritative reference and input builder live on the scoring server;
editing this copy changes nothing except your own understanding.
"""

import jax, jax.numpy as jnp
import numpy as np

VOCAB_SIZE = 1000000
KV_DIM = 64

def setup_inputs(seed: int = 0) -> dict:
    key = jax.random.key(seed)
    k_idx, k_emb = jax.random.split(key)
    idx = jax.random.randint(k_idx, (4096, 200), 0, VOCAB_SIZE, dtype=jnp.int64) if jax.config.jax_enable_x64 else jax.random.randint(k_idx, (4096, 200), 0, VOCAB_SIZE, dtype=jnp.int32)
    embed_weight = jax.random.normal(k_emb, (VOCAB_SIZE, KV_DIM), dtype=jnp.float32)
    return {"idx": idx, "embed_weight": embed_weight}

def reference(idx, embed_weight):
    # nn.Embedding forward: gather rows of the table by index
    return jnp.take(embed_weight, idx, axis=0)

if __name__ == "__main__":
    import jax
    _d = setup_inputs()
    print(jax.jit(kernel)(*tuple(_d.values())))

</pallas_src>

<mosaic_0001>
#map = affine_map<(d0, d1) -> (0, 0)>
#map1 = affine_map<(d0, d1) -> (0, 0, 0)>
module attributes {stable_mosaic.version = 14 : i64} {
  func.func @_gather_kernel(%arg0: i32, %arg1: i32, %arg2: memref<1000000x64xf32, #tpu.memory_space<hbm>>, %arg3: memref<4096x200xi32, #tpu.memory_space<hbm>>, %arg4: memref<4096x200x64xf32, #tpu.memory_space<hbm>>, %arg5: memref<4x200xi32, #tpu.memory_space<vmem>>, %arg6: memref<4x200xi32, #tpu.memory_space<vmem>>, %arg7: memref<4x200x64xf32, #tpu.memory_space<vmem>>, %arg8: memref<4x200x64xf32, #tpu.memory_space<vmem>>, %arg9: memref<!tpu.dma_semaphore, #tpu.memory_space<semaphore_mem>>, %arg10: memref<!tpu.dma_semaphore, #tpu.memory_space<semaphore_mem>>) attributes {dimension_semantics = [#tpu.dimension_semantics<core_parallel>, #tpu.dimension_semantics<subcore_parallel>], iteration_bounds = array<i64: 2, 16>, scalar_prefetch = 0 : i64, scratch_operands = 6 : i64, tpu.core_type = #tpu.core_type<sc_vector_subcore>, window_params = [{transform_indices = #map}, {transform_indices = #map}, {transform_indices = #map1}]} {
    %mul3A = arith.constant 2 : i32
    %mul3A_0 = arith.muli %arg1, %mul3A : i32
    %add3A = arith.addi %mul3A_0, %arg0 : i32
    %mul3A_1 = arith.constant 128 : i32
    %mul3A_2 = arith.muli %add3A, %mul3A_1 : i32
    %add3A_3 = arith.constant 0 : i32
    %add3A_4 = arith.addi %mul3A_2, %add3A_3 : i32
    "tpu.region"() ({
      %run_scoped3A = tpu.sem_alloc : memref<!tpu.dma_semaphore, #tpu.memory_space<semaphore_mem>>
      %dma_start3A_106 = arith.constant 0 : i32
      %dma_start3A_107 = tpu.memref_slice %arg3[%add3A_4, %dma_start3A_106] : memref<4096x200xi32, #tpu.memory_space<hbm>> -> memref<4x200xi32, #tpu.memory_space<hbm>>
      %dma_start3A_108 = arith.constant 0 : i32
      %dma_start3A_109 = tpu.memref_slice %arg3[%add3A_4, %dma_start3A_108] : memref<4096x200xi32, #tpu.memory_space<hbm>> -> memref<4x200xi32, #tpu.memory_space<hbm>>
      tpu.enqueue_dma source(%dma_start3A_109 : memref<4x200xi32, #tpu.memory_space<hbm>>) target(%arg5 : memref<4x200xi32, #tpu.memory_space<vmem>>) target_semaphore(%run_scoped3A : memref<!tpu.dma_semaphore, #tpu.memory_space<semaphore_mem>>)
      %dma_wait3A = arith.constant 0 : i32
      %dma_wait3A_110 = tpu.memref_slice %arg3[%add3A_4, %dma_wait3A] : memref<4096x200xi32, #tpu.memory_space<hbm>> -> memref<4x200xi32, #tpu.memory_space<hbm>>
      %dma_wait3A_111 = arith.constant 0 : i32
      %dma_wait3A_112 = tpu.memref_slice %arg3[%add3A_4, %dma_wait3A_111] : memref<4096x200xi32, #tpu.memory_space<hbm>> -> memref<4x200xi32, #tpu.memory_space<hbm>>
      tpu.wait_dma2 semaphore(%run_scoped3A : memref<!tpu.dma_semaphore, #tpu.memory_space<semaphore_mem>>) src(%dma_wait3A_112 : memref<4x200xi32, #tpu.memory_space<hbm>>) dst(%arg5 : memref<4x200xi32, #tpu.memory_space<vmem>>)
      tpu.yield
    }) : () -> ()
    %dma_start3A = arith.constant 0 : i32
    %dma_start3A_5 = arith.constant 0 : i32
    %dma_start3A_6 = arith.constant 0 : i32
    %dma_start3A_7 = arith.constant 0 : i32
    %dma_start3A_8 = tpu.memref_slice %arg7[%dma_start3A_5, %dma_start3A_6, %dma_start3A_7] : memref<4x200x64xf32, #tpu.memory_space<vmem>> -> memref<1x104x64xf32, #tpu.memory_space<vmem>>
    %dma_start3A_9 = tpu.memref_squeeze %dma_start3A_8 : memref<1x104x64xf32, #tpu.memory_space<vmem>> -> memref<104x64xf32, #tpu.memory_space<vmem>>
    %dma_start3A_10 = arith.constant 0 : i32
    %dma_start3A_11 = tpu.memref_slice %arg5[%dma_start3A, %dma_start3A_10] : memref<4x200xi32, #tpu.memory_space<vmem>> -> memref<1x104xi32, #tpu.memory_space<vmem>>
    %dma_start3A_12 = tpu.memref_squeeze %dma_start3A_11 : memref<1x104xi32, #tpu.memory_space<vmem>> -> memref<104xi32, #tpu.memory_space<vmem>>
    %dma_start3A_13 = arith.constant 0 : i32
    %dma_start3A_14 = arith.constant 0 : i32
    %dma_start3A_15 = tpu.memref_slice %arg2[%dma_start3A_13, %dma_start3A_14] : memref<1000000x64xf32, #tpu.memory_space<hbm>> -> memref<1000000x64xf32, #tpu.memory_space<hbm>>
    tpu.enqueue_indirect_dma source(%dma_start3A_15 : memref<1000000x64xf32, #tpu.memory_space<hbm>>) target(%dma_start3A_9 : memref<104x64xf32, #tpu.memory_space<vmem>>) offsets(%dma_start3A_12 : memref<104xi32, #tpu.memory_space<vmem>>) semaphore(%arg9 : memref<!tpu.dma_semaphore, #tpu.memory_space<semaphore_mem>>)
    %dma_start3A_16 = arith.constant 0 : i32
    %dma_start3A_17 = arith.constant 0 : i32
    %dma_start3A_18 = arith.constant 104 : i32
    %dma_start3A_19 = arith.constant 0 : i32
    %dma_start3A_20 = tpu.memref_slice %arg7[%dma_start3A_17, %dma_start3A_18, %dma_start3A_19] : memref<4x200x64xf32, #tpu.memory_space<vmem>> -> memref<1x96x64xf32, #tpu.memory_space<vmem>>
    %dma_start3A_21 = tpu.memref_squeeze %dma_start3A_20 : memref<1x96x64xf32, #tpu.memory_space<vmem>> -> memref<96x64xf32, #tpu.memory_space<vmem>>
    %dma_start3A_22 = arith.constant 104 : i32
    %dma_start3A_23 = tpu.memref_slice %arg5[%dma_start3A_16, %dma_start3A_22] : memref<4x200xi32, #tpu.memory_space<vmem>> -> memref<1x96xi32, #tpu.memory_space<vmem>>
    %dma_start3A_24 = tpu.memref_squeeze %dma_start3A_23 : memref<1x96xi32, #tpu.memory_space<vmem>> -> memref<96xi32, #tpu.memory_space<vmem>>
    %dma_start3A_25 = arith.constant 0 : i32
    %dma_start3A_26 = arith.constant 0 : i32
    %dma_start3A_27 = tpu.memref_slice %arg2[%dma_start3A_25, %dma_start3A_26] : memref<1000000x64xf32, #tpu.memory_space<hbm>> -> memref<1000000x64xf32, #tpu.memory_space<hbm>>
    tpu.enqueue_indirect_dma source(%dma_start3A_27 : memref<1000000x64xf32, #tpu.memory_space<hbm>>) target(%dma_start3A_21 : memref<96x64xf32, #tpu.memory_space<vmem>>) offsets(%dma_start3A_24 : memref<96xi32, #tpu.memory_space<vmem>>) semaphore(%arg9 : memref<!tpu.dma_semaphore, #tpu.memory_space<semaphore_mem>>)
    %dma_start3A_28 = arith.constant 1 : i32
    %dma_start3A_29 = arith.constant 1 : i32
    %dma_start3A_30 = arith.constant 0 : i32
    %dma_start3A_31 = arith.constant 0 : i32
    %dma_start3A_32 = tpu.memref_slice %arg7[%dma_start3A_29, %dma_start3A_30, %dma_start3A_31] : memref<4x200x64xf32, #tpu.memory_space<vmem>> -> memref<1x104x64xf32, #tpu.memory_space<vmem>>
    %dma_start3A_33 = tpu.memref_squeeze %dma_start3A_32 : memref<1x104x64xf32, #tpu.memory_space<vmem>> -> memref<104x64xf32, #tpu.memory_space<vmem>>
    %dma_start3A_34 = arith.constant 0 : i32
    %dma_start3A_35 = tpu.memref_slice %arg5[%dma_start3A_28, %dma_start3A_34] : memref<4x200xi32, #tpu.memory_space<vmem>> -> memref<1x104xi32, #tpu.memory_space<vmem>>
    %dma_start3A_36 = tpu.memref_squeeze %dma_start3A_35 : memref<1x104xi32, #tpu.memory_space<vmem>> -> memref<104xi32, #tpu.memory_space<vmem>>
    %dma_start3A_37 = arith.constant 0 : i32
    %dma_start3A_38 = arith.constant 0 : i32
    %dma_start3A_39 = tpu.memref_slice %arg2[%dma_start3A_37, %dma_start3A_38] : memref<1000000x64xf32, #tpu.memory_space<hbm>> -> memref<1000000x64xf32, #tpu.memory_space<hbm>>
    tpu.enqueue_indirect_dma source(%dma_start3A_39 : memref<1000000x64xf32, #tpu.memory_space<hbm>>) target(%dma_start3A_33 : memref<104x64xf32, #tpu.memory_space<vmem>>) offsets(%dma_start3A_36 : memref<104xi32, #tpu.memory_space<vmem>>) semaphore(%arg9 : memref<!tpu.dma_semaphore, #tpu.memory_space<semaphore_mem>>)
    %dma_start3A_40 = arith.constant 1 : i32
    %dma_start3A_41 = arith.constant 1 : i32
    %dma_start3A_42 = arith.constant 104 : i32
    %dma_start3A_43 = arith.constant 0 : i32
    %dma_start3A_44 = tpu.memref_slice %arg7[%dma_start3A_41, %dma_start3A_42, %dma_start3A_43] : memref<4x200x64xf32, #tpu.memory_space<vmem>> -> memref<1x96x64xf32, #tpu.memory_space<vmem>>
    %dma_start3A_45 = tpu.memref_squeeze %dma_start3A_44 : memref<1x96x64xf32, #tpu.memory_space<vmem>> -> memref<96x64xf32, #tpu.memory_space<vmem>>
    %dma_start3A_46 = arith.constant 104 : i32
    %dma_start3A_47 = tpu.memref_slice %arg5[%dma_start3A_40, %dma_start3A_46] : memref<4x200xi32, #tpu.memory_space<vmem>> -> memref<1x96xi32, #tpu.memory_space<vmem>>
    %dma_start3A_48 = tpu.memref_squeeze %dma_start3A_47 : memref<1x96xi32, #tpu.memory_space<vmem>> -> memref<96xi32, #tpu.memory_space<vmem>>
    %dma_start3A_49 = arith.constant 0 : i32
    %dma_start3A_50 = arith.constant 0 : i32
    %dma_start3A_51 = tpu.memref_slice %arg2[%dma_start3A_49, %dma_start3A_50] : memref<1000000x64xf32, #tpu.memory_space<hbm>> -> memref<1000000x64xf32, #tpu.memory_space<hbm>>
    tpu.enqueue_indirect_dma source(%dma_start3A_51 : memref<1000000x64xf32, #tpu.memory_space<hbm>>) target(%dma_start3A_45 : memref<96x64xf32, #tpu.memory_space<vmem>>) offsets(%dma_start3A_48 : memref<96xi32, #tpu.memory_space<vmem>>) semaphore(%arg9 : memref<!tpu.dma_semaphore, #tpu.memory_space<semaphore_mem>>)
    %dma_start3A_52 = arith.constant 2 : i32
    %dma_start3A_53 = arith.constant 2 : i32
    %dma_start3A_54 = arith.constant 0 : i32
    %dma_start3A_55 = arith.constant 0 : i32
    %dma_start3A_56 = tpu.memref_slice %arg7[%dma_start3A_53, %dma_start3A_54, %dma_start3A_55] : memref<4x200x64xf32, #tpu.memory_space<vmem>> -> memref<1x104x64xf32, #tpu.memory_space<vmem>>
    %dma_start3A_57 = tpu.memref_squeeze %dma_start3A_56 : memref<1x104x64xf32, #tpu.memory_space<vmem>> -> memref<104x64xf32, #tpu.memory_space<vmem>>
    %dma_start3A_58 = arith.constant 0 : i32
    %dma_start3A_59 = tpu.memref_slice %arg5[%dma_start3A_52, %dma_start3A_58] : memref<4x200xi32, #tpu.memory_space<vmem>> -> memref<1x104xi32, #tpu.memory_space<vmem>>
    %dma_start3A_60 = tpu.memref_squeeze %dma_start3A_59 : memref<1x104xi32, #tpu.memory_space<vmem>> -> memref<104xi32, #tpu.memory_space<vmem>>
    %dma_start3A_61 = arith.constant 0 : i32
    %dma_start3A_62 = arith.constant 0 : i32
    %dma_start3A_63 = tpu.memref_slice %arg2[%dma_start3A_61, %dma_start3A_62] : memref<1000000x64xf32, #tpu.memory_space<hbm>> -> memref<1000000x64xf32, #tpu.memory_space<hbm>>
    tpu.enqueue_indirect_dma source(%dma_start3A_63 : memref<1000000x64xf32, #tpu.memory_space<hbm>>) target(%dma_start3A_57 : memref<104x64xf32, #tpu.memory_space<vmem>>) offsets(%dma_start3A_60 : memref<104xi32, #tpu.memory_space<vmem>>) semaphore(%arg9 : memref<!tpu.dma_semaphore, #tpu.memory_space<semaphore_mem>>)
    %dma_start3A_64 = arith.constant 2 : i32
    %dma_start3A_65 = arith.constant 2 : i32
    %dma_start3A_66 = arith.constant 104 : i32
    %dma_start3A_67 = arith.constant 0 : i32
    %dma_start3A_68 = tpu.memref_slice %arg7[%dma_start3A_65, %dma_start3A_66, %dma_start3A_67] : memref<4x200x64xf32, #tpu.memory_space<vmem>> -> memref<1x96x64xf32, #tpu.memory_space<vmem>>
    %dma_start3A_69 = tpu.memref_squeeze %dma_start3A_68 : memref<1x96x64xf32, #tpu.memory_space<vmem>> -> memref<96x64xf32, #tpu.memory_space<vmem>>
    %dma_start3A_70 = arith.constant 104 : i32
    %dma_start3A_71 = tpu.memref_slice %arg5[%dma_start3A_64, %dma_start3A_70] : memref<4x200xi32, #tpu.memory_space<vmem>> -> memref<1x96xi32, #tpu.memory_space<vmem>>
    %dma_start3A_72 = tpu.memref_squeeze %dma_start3A_71 : memref<1x96xi32, #tpu.memory_space<vmem>> -> memref<96xi32, #tpu.memory_space<vmem>>
    %dma_start3A_73 = arith.constant 0 : i32
    %dma_start3A_74 = arith.constant 0 : i32
    %dma_start3A_75 = tpu.memref_slice %arg2[%dma_start3A_73, %dma_start3A_74] : memref<1000000x64xf32, #tpu.memory_space<hbm>> -> memref<1000000x64xf32, #tpu.memory_space<hbm>>
    tpu.enqueue_indirect_dma source(%dma_start3A_75 : memref<1000000x64xf32, #tpu.memory_space<hbm>>) target(%dma_start3A_69 : memref<96x64xf32, #tpu.memory_space<vmem>>) offsets(%dma_start3A_72 : memref<96xi32, #tpu.memory_space<vmem>>) semaphore(%arg9 : memref<!tpu.dma_semaphore, #tpu.memory_space<semaphore_mem>>)
    %dma_start3A_76 = arith.constant 3 : i32
    %dma_start3A_77 = arith.constant 3 : i32
    %dma_start3A_78 = arith.constant 0 : i32
    %dma_start3A_79 = arith.constant 0 : i32
    %dma_start3A_80 = tpu.memref_slice %arg7[%dma_start3A_77, %dma_start3A_78, %dma_start3A_79] : memref<4x200x64xf32, #tpu.memory_space<vmem>> -> memref<1x104x64xf32, #tpu.memory_space<vmem>>
    %dma_start3A_81 = tpu.memref_squeeze %dma_start3A_80 : memref<1x104x64xf32, #tpu.memory_space<vmem>> -> memref<104x64xf32, #tpu.memory_space<vmem>>
    %dma_start3A_82 = arith.constant 0 : i32
    %dma_start3A_83 = tpu.memref_slice %arg5[%dma_start3A_76, %dma_start3A_82] : memref<4x200xi32, #tpu.memory_space<vmem>> -> memref<1x104xi32, #tpu.memory_space<vmem>>
    %dma_start3A_84 = tpu.memref_squeeze %dma_start3A_83 : memref<1x104xi32, #tpu.memory_space<vmem>> -> memref<104xi32, #tpu.memory_space<vmem>>
    %dma_start3A_85 = arith.constant 0 : i32
    %dma_start3A_86 = arith.constant 0 : i32
    %dma_start3A_87 = tpu.memref_slice %arg2[%dma_start3A_85, %dma_start3A_86] : memref<1000000x64xf32, #tpu.memory_space<hbm>> -> memref<1000000x64xf32, #tpu.memory_space<hbm>>
    tpu.enqueue_indirect_dma source(%dma_start3A_87 : memref<1000000x64xf32, #tpu.memory_space<hbm>>) target(%dma_start3A_81 : memref<104x64xf32, #tpu.memory_space<vmem>>) offsets(%dma_start3A_84 : memref<104xi32, #tpu.memory_space<vmem>>) semaphore(%arg9 : memref<!tpu.dma_semaphore, #tpu.memory_space<semaphore_mem>>)
    %dma_start3A_88 = arith.constant 3 : i32
    %dma_start3A_89 = arith.constant 3 : i32
    %dma_start3A_90 = arith.constant 104 : i32
    %dma_start3A_91 = arith.constant 0 : i32
    %dma_start3A_92 = tpu.memref_slice %arg7[%dma_start3A_89, %dma_start3A_90, %dma_start3A_91] : memref<4x200x64xf32, #tpu.memory_space<vmem>> -> memref<1x96x64xf32, #tpu.memory_space<vmem>>
    %dma_start3A_93 = tpu.memref_squeeze %dma_start3A_92 : memref<1x96x64xf32, #tpu.memory_space<vmem>> -> memref<96x64xf32, #tpu.memory_space<vmem>>
    %dma_start3A_94 = arith.constant 104 : i32
    %dma_start3A_95 = tpu.memref_slice %arg5[%dma_start3A_88, %dma_start3A_94] : memref<4x200xi32, #tpu.memory_space<vmem>> -> memref<1x96xi32, #tpu.memory_space<vmem>>
    %dma_start3A_96 = tpu.memref_squeeze %dma_start3A_95 : memref<1x96xi32, #tpu.memory_space<vmem>> -> memref<96xi32, #tpu.memory_space<vmem>>
    %dma_start3A_97 = arith.constant 0 : i32
    %dma_start3A_98 = arith.constant 0 : i32
    %dma_start3A_99 = tpu.memref_slice %arg2[%dma_start3A_97, %dma_start3A_98] : memref<1000000x64xf32, #tpu.memory_space<hbm>> -> memref<1000000x64xf32, #tpu.memory_space<hbm>>
    tpu.enqueue_indirect_dma source(%dma_start3A_99 : memref<1000000x64xf32, #tpu.memory_space<hbm>>) target(%dma_start3A_93 : memref<96x64xf32, #tpu.memory_space<vmem>>) offsets(%dma_start3A_96 : memref<96xi32, #tpu.memory_space<vmem>>) semaphore(%arg9 : memref<!tpu.dma_semaphore, #tpu.memory_space<semaphore_mem>>)
    %scan3A = arith.constant 0 : i32
    %scan3A_100 = arith.constant 0 : i32
    %scan3A_101 = arith.constant 16 : i32
    %scan3A_102 = arith.addi %scan3A_100, %scan3A_101 : i32
    %scan3A_103 = arith.constant 1 : i32
    %scan3A_104 = scf.for %scan3A_106 = %scan3A_100 to %scan3A_102 step %scan3A_103 iter_args(%scan3A_107 = %scan3A) -> (i32)  : i32 {
      %mul3A_108 = arith.constant 2 : i32
      %mul3A_109 = arith.muli %mul3A_108, %scan3A_106 : i32
      %add3A_110 = arith.constant 1 : i32
      %add3A_111 = arith.addi %mul3A_109, %add3A_110 : i32
      %mul3A_112 = arith.constant 4 : i32
      %mul3A_113 = arith.muli %add3A_111, %mul3A_112 : i32
      %add3A_114 = arith.addi %mul3A_2, %mul3A_113 : i32
      "tpu.region"() ({
        %run_scoped3A = tpu.sem_alloc : memref<!tpu.dma_semaphore, #tpu.memory_space<semaphore_mem>>
        %dma_start3A_239 = arith.constant 0 : i32
        %dma_start3A_240 = tpu.memref_slice %arg3[%add3A_114, %dma_start3A_239] : memref<4096x200xi32, #tpu.memory_space<hbm>> -> memref<4x200xi32, #tpu.memory_space<hbm>>
        %dma_start3A_241 = arith.constant 0 : i32
        %dma_start3A_242 = tpu.memref_slice %arg3[%add3A_114, %dma_start3A_241] : memref<4096x200xi32, #tpu.memory_space<hbm>> -> memref<4x200xi32, #tpu.memory_space<hbm>>
        tpu.enqueue_dma source(%dma_start3A_242 : memref<4x200xi32, #tpu.memory_space<hbm>>) target(%arg6 : memref<4x200xi32, #tpu.memory_space<vmem>>) target_semaphore(%run_scoped3A : memref<!tpu.dma_semaphore, #tpu.memory_space<semaphore_mem>>)
        %dma_wait3A_243 = arith.constant 0 : i32
        %dma_wait3A_244 = tpu.memref_slice %arg3[%add3A_114, %dma_wait3A_243] : memref<4096x200xi32, #tpu.memory_space<hbm>> -> memref<4x200xi32, #tpu.memory_space<hbm>>
        %dma_wait3A_245 = arith.constant 0 : i32
        %dma_wait3A_246 = tpu.memref_slice %arg3[%add3A_114, %dma_wait3A_245] : memref<4096x200xi32, #tpu.memory_space<hbm>> -> memref<4x200xi32, #tpu.memory_space<hbm>>
        tpu.wait_dma2 semaphore(%run_scoped3A : memref<!tpu.dma_semaphore, #tpu.memory_space<semaphore_mem>>) src(%dma_wait3A_246 : memref<4x200xi32, #tpu.memory_space<hbm>>) dst(%arg6 : memref<4x200xi32, #tpu.memory_space<vmem>>)
        tpu.yield
      }) : () -> ()
      %dma_start3A_115 = arith.constant 0 : i32
      %dma_start3A_116 = arith.constant 0 : i32
      %dma_start3A_117 = arith.constant 0 : i32
      %dma_start3A_118 = arith.constant 0 : i32
      %dma_start3A_119 = tpu.memref_slice %arg8[%dma_start3A_116, %dma_start3A_117, %dma_start3A_118] : memref<4x200x64xf32, #tpu.memory_space<vmem>> -> memref<1x104x64xf32, #tpu.memory_space<vmem>>
      %dma_start3A_120 = tpu.memref_squeeze %dma_start3A_119 : memref<1x104x64xf32, #tpu.memory_space<vmem>> -> memref<104x64xf32, #tpu.memory_space<vmem>>
      %dma_start3A_121 = arith.constant 0 : i32
      %dma_start3A_122 = tpu.memref_slice %arg6[%dma_start3A_115, %dma_start3A_121] : memref<4x200xi32, #tpu.memory_space<vmem>> -> memref<1x104xi32, #tpu.memory_space<vmem>>
      %dma_start3A_123 = tpu.memref_squeeze %dma_start3A_122 : memref<1x104xi32, #tpu.memory_space<vmem>> -> memref<104xi32, #tpu.memory_space<vmem>>
      %dma_start3A_124 = arith.constant 0 : i32
      %dma_start3A_125 = arith.constant 0 : i32
      %dma_start3A_126 = tpu.memref_slice %arg2[%dma_start3A_124, %dma_start3A_125] : memref<1000000x64xf32, #tpu.memory_space<hbm>> -> memref<1000000x64xf32, #tpu.memory_space<hbm>>
      tpu.enqueue_indirect_dma source(%dma_start3A_126 : memref<1000000x64xf32, #tpu.memory_space<hbm>>) target(%dma_start3A_120 : memref<104x64xf32, #tpu.memory_space<vmem>>) offsets(%dma_start3A_123 : memref<104xi32, #tpu.memory_space<vmem>>) semaphore(%arg10 : memref<!tpu.dma_semaphore, #tpu.memory_space<semaphore_mem>>)
      %dma_start3A_127 = arith.constant 0 : i32
      %dma_start3A_128 = arith.constant 0 : i32
      %dma_start3A_129 = arith.constant 104 : i32
      %dma_start3A_130 = arith.constant 0 : i32
      %dma_start3A_131 = tpu.memref_slice %arg8[%dma_start3A_128, %dma_start3A_129, %dma_start3A_130] : memref<4x200x64xf32, #tpu.memory_space<vmem>> -> memref<1x96x64xf32, #tpu.memory_space<vmem>>
      %dma_start3A_132 = tpu.memref_squeeze %dma_start3A_131 : memref<1x96x64xf32, #tpu.memory_space<vmem>> -> memref<96x64xf32, #tpu.memory_space<vmem>>
      %dma_start3A_133 = arith.constant 104 : i32
      %dma_start3A_134 = tpu.memref_slice %arg6[%dma_start3A_127, %dma_start3A_133] : memref<4x200xi32, #tpu.memory_space<vmem>> -> memref<1x96xi32, #tpu.memory_space<vmem>>
      %dma_start3A_135 = tpu.memref_squeeze %dma_start3A_134 : memref<1x96xi32, #tpu.memory_space<vmem>> -> memref<96xi32, #tpu.memory_space<vmem>>
      %dma_start3A_136 = arith.constant 0 : i32
      %dma_start3A_137 = arith.constant 0 : i32
      %dma_start3A_138 = tpu.memref_slice %arg2[%dma_start3A_136, %dma_start3A_137] : memref<1000000x64xf32, #tpu.memory_space<hbm>> -> memref<1000000x64xf32, #tpu.memory_space<hbm>>
      tpu.enqueue_indirect_dma source(%dma_start3A_138 : memref<1000000x64xf32, #tpu.memory_space<hbm>>) target(%dma_start3A_132 : memref<96x64xf32, #tpu.memory_space<vmem>>) offsets(%dma_start3A_135 : memref<96xi32, #tpu.memory_space<vmem>>) semaphore(%arg10 : memref<!tpu.dma_semaphore, #tpu.memory_space<semaphore_mem>>)
      %dma_start3A_139 = arith.constant 1 : i32
      %dma_start3A_140 = arith.constant 1 : i32
      %dma_start3A_141 = arith.constant 0 : i32
      %dma_start3A_142 = arith.constant 0 : i32
      %dma_start3A_143 = tpu.memref_slice %arg8[%dma_start3A_140, %dma_start3A_141, %dma_start3A_142] : memref<4x200x64xf32, #tpu.memory_space<vmem>> -> memref<1x104x64xf32, #tpu.memory_space<vmem>>
      %dma_start3A_144 = tpu.memref_squeeze %dma_start3A_143 : memref<1x104x64xf32, #tpu.memory_space<vmem>> -> memref<104x64xf32, #tpu.memory_space<vmem>>
      %dma_start3A_145 = arith.constant 0 : i32
      %dma_start3A_146 = tpu.memref_slice %arg6[%dma_start3A_139, %dma_start3A_145] : memref<4x200xi32, #tpu.memory_space<vmem>> -> memref<1x104xi32, #tpu.memory_space<vmem>>
      %dma_start3A_147 = tpu.memref_squeeze %dma_start3A_146 : memref<1x104xi32, #tpu.memory_space<vmem>> -> memref<104xi32, #tpu.memory_space<vmem>>
      %dma_start3A_148 = arith.constant 0 : i32
      %dma_start3A_149 = arith.constant 0 : i32
      %dma_start3A_150 = tpu.memref_slice %arg2[%dma_start3A_148, %dma_start3A_149] : memref<1000000x64xf32, #tpu.memory_space<hbm>> -> memref<1000000x64xf32, #tpu.memory_space<hbm>>
      tpu.enqueue_indirect_dma source(%dma_start3A_150 : memref<1000000x64xf32, #tpu.memory_space<hbm>>) target(%dma_start3A_144 : memref<104x64xf32, #tpu.memory_space<vmem>>) offsets(%dma_start3A_147 : memref<104xi32, #tpu.memory_space<vmem>>) semaphore(%arg10 : memref<!tpu.dma_semaphore, #tpu.memory_space<semaphore_mem>>)
      %dma_start3A_151 = arith.constant 1 : i32
      %dma_start3A_152 = arith.constant 1 : i32
      %dma_start3A_153 = arith.constant 104 : i32
      %dma_start3A_154 = arith.constant 0 : i32
      %dma_start3A_155 = tpu.memref_slice %arg8[%dma_start3A_152, %dma_start3A_153, %dma_start3A_154] : memref<4x200x64xf32, #tpu.memory_space<vmem>> -> memref<1x96x64xf32, #tpu.memory_space<vmem>>
      %dma_start3A_156 = tpu.memref_squeeze %dma_start3A_155 : memref<1x96x64xf32, #tpu.memory_space<vmem>> -> memref<96x64xf32, #tpu.memory_space<vmem>>
      %dma_start3A_157 = arith.constant 104 : i32
      %dma_start3A_158 = tpu.memref_slice %arg6[%dma_start3A_151, %dma_start3A_157] : memref<4x200xi32, #tpu.memory_space<vmem>> -> memref<1x96xi32, #tpu.memory_space<vmem>>
      %dma_start3A_159 = tpu.memref_squeeze %dma_start3A_158 : memref<1x96xi32, #tpu.memory_space<vmem>> -> memref<96xi32, #tpu.memory_space<vmem>>
      %dma_start3A_160 = arith.constant 0 : i32
      %dma_start3A_161 = arith.constant 0 : i32
      %dma_start3A_162 = tpu.memref_slice %arg2[%dma_start3A_160, %dma_start3A_161] : memref<1000000x64xf32, #tpu.memory_space<hbm>> -> memref<1000000x64xf32, #tpu.memory_space<hbm>>
      tpu.enqueue_indirect_dma source(%dma_start3A_162 : memref<1000000x64xf32, #tpu.memory_space<hbm>>) target(%dma_start3A_156 : memref<96x64xf32, #tpu.memory_space<vmem>>) offsets(%dma_start3A_159 : memref<96xi32, #tpu.memory_space<vmem>>) semaphore(%arg10 : memref<!tpu.dma_semaphore, #tpu.memory_space<semaphore_mem>>)
      %dma_start3A_163 = arith.constant 2 : i32
      %dma_start3A_164 = arith.constant 2 : i32
      %dma_start3A_165 = arith.constant 0 : i32
      %dma_start3A_166 = arith.constant 0 : i32
      %dma_start3A_167 = tpu.memref_slice %arg8[%dma_start3A_164, %dma_start3A_165, %dma_start3A_166] : memref<4x200x64xf32, #tpu.memory_space<vmem>> -> memref<1x104x64xf32, #tpu.memory_space<vmem>>
      %dma_start3A_168 = tpu.memref_squeeze %dma_start3A_167 : memref<1x104x64xf32, #tpu.memory_space<vmem>> -> memref<104x64xf32, #tpu.memory_space<vmem>>
      %dma_start3A_169 = arith.constant 0 : i32
      %dma_start3A_170 = tpu.memref_slice %arg6[%dma_start3A_163, %dma_start3A_169] : memref<4x200xi32, #tpu.memory_space<vmem>> -> memref<1x104xi32, #tpu.memory_space<vmem>>
      %dma_start3A_171 = tpu.memref_squeeze %dma_start3A_170 : memref<1x104xi32, #tpu.memory_space<vmem>> -> memref<104xi32, #tpu.memory_space<vmem>>
      %dma_start3A_172 = arith.constant 0 : i32
      %dma_start3A_173 = arith.constant 0 : i32
      %dma_start3A_174 = tpu.memref_slice %arg2[%dma_start3A_172, %dma_start3A_173] : memref<1000000x64xf32, #tpu.memory_space<hbm>> -> memref<1000000x64xf32, #tpu.memory_space<hbm>>
      tpu.enqueue_indirect_dma source(%dma_start3A_174 : memref<1000000x64xf32, #tpu.memory_space<hbm>>) target(%dma_start3A_168 : memref<104x64xf32, #tpu.memory_space<vmem>>) offsets(%dma_start3A_171 : memref<104xi32, #tpu.memory_space<vmem>>) semaphore(%arg10 : memref<!tpu.dma_semaphore, #tpu.memory_space<semaphore_mem>>)
      %dma_start3A_175 = arith.constant 2 : i32
      %dma_start3A_176 = arith.constant 2 : i32
      %dma_start3A_177 = arith.constant 104 : i32
      %dma_start3A_178 = arith.constant 0 : i32
      %dma_start3A_179 = tpu.memref_slice %arg8[%dma_start3A_176, %dma_start3A_177, %dma_start3A_178] : memref<4x200x64xf32, #tpu.memory_space<vmem>> -> memref<1x96x64xf32, #tpu.memory_space<vmem>>
      %dma_start3A_180 = tpu.memref_squeeze %dma_start3A_179 : memref<1x96x64xf32, #tpu.memory_space<vmem>> -> memref<96x64xf32, #tpu.memory_space<vmem>>
      %dma_start3A_181 = arith.constant 104 : i32
      %dma_start3A_182 = tpu.memref_slice %arg6[%dma_start3A_175, %dma_start3A_181] : memref<4x200xi32, #tpu.memory_space<vmem>> -> memref<1x96xi32, #tpu.memory_space<vmem>>
      %dma_start3A_183 = tpu.memref_squeeze %dma_start3A_182 : memref<1x96xi32, #tpu.memory_space<vmem>> -> memref<96xi32, #tpu.memory_space<vmem>>
      %dma_start3A_184 = arith.constant 0 : i32
      %dma_start3A_185 = arith.constant 0 : i32
      %dma_start3A_186 = tpu.memref_slice %arg2[%dma_start3A_184, %dma_start3A_185] : memref<1000000x64xf32, #tpu.memory_space<hbm>> -> memref<1000000x64xf32, #tpu.memory_space<hbm>>
      tpu.enqueue_indirect_dma source(%dma_start3A_186 : memref<1000000x64xf32, #tpu.memory_space<hbm>>) target(%dma_start3A_180 : memref<96x64xf32, #tpu.memory_space<vmem>>) offsets(%dma_start3A_183 : memref<96xi32, #tpu.memory_space<vmem>>) semaphore(%arg10 : memref<!tpu.dma_semaphore, #tpu.memory_space<semaphore_mem>>)
      %dma_start3A_187 = arith.constant 3 : i32
      %dma_start3A_188 = arith.constant 3 : i32
      %dma_start3A_189 = arith.constant 0 : i32
      %dma_start3A_190 = arith.constant 0 : i32
      %dma_start3A_191 = tpu.memref_slice %arg8[%dma_start3A_188, %dma_start3A_189, %dma_start3A_190] : memref<4x200x64xf32, #tpu.memory_space<vmem>> -> memref<1x104x64xf32, #tpu.memory_space<vmem>>
      %dma_start3A_192 = tpu.memref_squeeze %dma_start3A_191 : memref<1x104x64xf32, #tpu.memory_space<vmem>> -> memref<104x64xf32, #tpu.memory_space<vmem>>
      %dma_start3A_193 = arith.constant 0 : i32
      %dma_start3A_194 = tpu.memref_slice %arg6[%dma_start3A_187, %dma_start3A_193] : memref<4x200xi32, #tpu.memory_space<vmem>> -> memref<1x104xi32, #tpu.memory_space<vmem>>
      %dma_start3A_195 = tpu.memref_squeeze %dma_start3A_194 : memref<1x104xi32, #tpu.memory_space<vmem>> -> memref<104xi32, #tpu.memory_space<vmem>>
      %dma_start3A_196 = arith.constant 0 : i32
      %dma_start3A_197 = arith.constant 0 : i32
      %dma_start3A_198 = tpu.memref_slice %arg2[%dma_start3A_196, %dma_start3A_197] : memref<1000000x64xf32, #tpu.memory_space<hbm>> -> memref<1000000x64xf32, #tpu.memory_space<hbm>>
      tpu.enqueue_indirect_dma source(%dma_start3A_198 : memref<1000000x64xf32, #tpu.memory_space<hbm>>) target(%dma_start3A_192 : memref<104x64xf32, #tpu.memory_space<vmem>>) offsets(%dma_start3A_195 : memref<104xi32, #tpu.memory_space<vmem>>) semaphore(%arg10 : memref<!tpu.dma_semaphore, #tpu.memory_space<semaphore_mem>>)
      %dma_start3A_199 = arith.constant 3 : i32
      %dma_start3A_200 = arith.constant 3 : i32
      %dma_start3A_201 = arith.constant 104 : i32
      %dma_start3A_202 = arith.constant 0 : i32
      %dma_start3A_203 = tpu.memref_slice %arg8[%dma_start3A_200, %dma_start3A_201, %dma_start3A_202] : memref<4x200x64xf32, #tpu.memory_space<vmem>> -> memref<1x96x64xf32, #tpu.memory_space<vmem>>
      %dma_start3A_204 = tpu.memref_squeeze %dma_start3A_203 : memref<1x96x64xf32, #tpu.memory_space<vmem>> -> memref<96x64xf32, #tpu.memory_space<vmem>>
      %dma_start3A_205 = arith.constant 104 : i32
      %dma_start3A_206 = tpu.memref_slice %arg6[%dma_start3A_199, %dma_start3A_205] : memref<4x200xi32, #tpu.memory_space<vmem>> -> memref<1x96xi32, #tpu.memory_space<vmem>>
      %dma_start3A_207 = tpu.memref_squeeze %dma_start3A_206 : memref<1x96xi32, #tpu.memory_space<vmem>> -> memref<96xi32, #tpu.memory_space<vmem>>
      %dma_start3A_208 = arith.constant 0 : i32
      %dma_start3A_209 = arith.constant 0 : i32
      %dma_start3A_210 = tpu.memref_slice %arg2[%dma_start3A_208, %dma_start3A_209] : memref<1000000x64xf32, #tpu.memory_space<hbm>> -> memref<1000000x64xf32, #tpu.memory_space<hbm>>
      tpu.enqueue_indirect_dma source(%dma_start3A_210 : memref<1000000x64xf32, #tpu.memory_space<hbm>>) target(%dma_start3A_204 : memref<96x64xf32, #tpu.memory_space<vmem>>) offsets(%dma_start3A_207 : memref<96xi32, #tpu.memory_space<vmem>>) semaphore(%arg10 : memref<!tpu.dma_semaphore, #tpu.memory_space<semaphore_mem>>)
      %dma_wait3A = arith.constant 0 : i32
      %dma_wait3A_211 = arith.constant 0 : i32
      %dma_wait3A_212 = arith.constant 0 : i32
      %dma_wait3A_213 = tpu.memref_slice %arg4[%dma_wait3A, %dma_wait3A_211, %dma_wait3A_212] : memref<4096x200x64xf32, #tpu.memory_space<hbm>> -> memref<4x200x64xf32, #tpu.memory_space<hbm>>
      %dma_wait3A_214 = arith.constant 0 : i32
      %dma_wait3A_215 = arith.constant 0 : i32
      %dma_wait3A_216 = arith.constant 0 : i32
      %dma_wait3A_217 = tpu.memref_slice %arg4[%dma_wait3A_214, %dma_wait3A_215, %dma_wait3A_216] : memref<4096x200x64xf32, #tpu.memory_space<hbm>> -> memref<4x200x64xf32, #tpu.memory_space<hbm>>
      tpu.wait_dma2 semaphore(%arg9 : memref<!tpu.dma_semaphore, #tpu.memory_space<semaphore_mem>>) src(%dma_wait3A_217 : memref<4x200x64xf32, #tpu.memory_space<hbm>>) dst(%arg7 : memref<4x200x64xf32, #tpu.memory_space<vmem>>)
      %mul3A_218 = arith.constant 4 : i32
      %mul3A_219 = arith.muli %mul3A_109, %mul3A_218 : i32
      %add3A_220 = arith.addi %mul3A_2, %mul3A_219 : i32
      "tpu.region"() ({
        %run_scoped3A = tpu.sem_alloc : memref<!tpu.dma_semaphore, #tpu.memory_space<semaphore_mem>>
        %dma_start3A_239 = arith.constant 0 : i32
        %dma_start3A_240 = arith.constant 0 : i32
        %dma_start3A_241 = tpu.memref_slice %arg4[%add3A_220, %dma_start3A_239, %dma_start3A_240] : memref<4096x200x64xf32, #tpu.memory_space<hbm>> -> memref<4x200x64xf32, #tpu.memory_space<hbm>>
        %dma_start3A_242 = arith.constant 0 : i32
        %dma_start3A_243 = arith.constant 0 : i32
        %dma_start3A_244 = tpu.memref_slice %arg4[%add3A_220, %dma_start3A_242, %dma_start3A_243] : memref<4096x200x64xf32, #tpu.memory_space<hbm>> -> memref<4x200x64xf32, #tpu.memory_space<hbm>>
        tpu.enqueue_dma source(%arg7 : memref<4x200x64xf32, #tpu.memory_space<vmem>>) target(%dma_start3A_244 : memref<4x200x64xf32, #tpu.memory_space<hbm>>) target_semaphore(%run_scoped3A : memref<!tpu.dma_semaphore, #tpu.memory_space<semaphore_mem>>)
        %dma_wait3A_245 = arith.constant 0 : i32
        %dma_wait3A_246 = arith.constant 0 : i32
        %dma_wait3A_247 = tpu.memref_slice %arg4[%add3A_220, %dma_wait3A_245, %dma_wait3A_246] : memref<4096x200x64xf32, #tpu.memory_space<hbm>> -> memref<4x200x64xf32, #tpu.memory_space<hbm>>
        %dma_wait3A_248 = arith.constant 0 : i32
        %dma_wait3A_249 = arith.constant 0 : i32
        %dma_wait3A_250 = tpu.memref_slice %arg4[%add3A_220, %dma_wait3A_248, %dma_wait3A_249] : memref<4096x200x64xf32, #tpu.memory_space<hbm>> -> memref<4x200x64xf32, #tpu.memory_space<hbm>>
        tpu.wait_dma2 semaphore(%run_scoped3A : memref<!tpu.dma_semaphore, #tpu.memory_space<semaphore_mem>>) src(%arg7 : memref<4x200x64xf32, #tpu.memory_space<vmem>>) dst(%dma_wait3A_250 : memref<4x200x64xf32, #tpu.memory_space<hbm>>)
        tpu.yield
      }) : () -> ()
      %add3A_221 = arith.constant 2 : i32
      %add3A_222 = arith.addi %mul3A_109, %add3A_221 : i32
      %lt3A = arith.constant 32 : i32
      %lt3A_223 = arith.cmpi slt, %add3A_222, %lt3A : i32
      %convert_element_type3A = arith.extui %lt3A_223 : i1 to i32
      %cond3A = arith.constant 0 : i32
      %cond3A_224 = arith.cmpi ne, %convert_element_type3A, %cond3A : i32
      scf.if %cond3A_224 {
        %add3A_239 = arith.constant 2 : i32
        %add3A_240 = arith.addi %mul3A_109, %add3A_239 : i32
        %mul3A_241 = arith.constant 4 : i32
        %mul3A_242 = arith.muli %add3A_240, %mul3A_241 : i32
        %add3A_243 = arith.addi %mul3A_2, %mul3A_242 : i32
        "tpu.region"() ({
          %run_scoped3A = tpu.sem_alloc : memref<!tpu.dma_semaphore, #tpu.memory_space<semaphore_mem>>
          %dma_start3A_340 = arith.constant 0 : i32
          %dma_start3A_341 = tpu.memref_slice %arg3[%add3A_243, %dma_start3A_340] : memref<4096x200xi32, #tpu.memory_space<hbm>> -> memref<4x200xi32, #tpu.memory_space<hbm>>
          %dma_start3A_342 = arith.constant 0 : i32
          %dma_start3A_343 = tpu.memref_slice %arg3[%add3A_243, %dma_start3A_342] : memref<4096x200xi32, #tpu.memory_space<hbm>> -> memref<4x200xi32, #tpu.memory_space<hbm>>
          tpu.enqueue_dma source(%dma_start3A_343 : memref<4x200xi32, #tpu.memory_space<hbm>>) target(%arg5 : memref<4x200xi32, #tpu.memory_space<vmem>>) target_semaphore(%run_scoped3A : memref<!tpu.dma_semaphore, #tpu.memory_space<semaphore_mem>>)
          %dma_wait3A_344 = arith.constant 0 : i32
          %dma_wait3A_345 = tpu.memref_slice %arg3[%add3A_243, %dma_wait3A_344] : memref<4096x200xi32, #tpu.memory_space<hbm>> -> memref<4x200xi32, #tpu.memory_space<hbm>>
          %dma_wait3A_346 = arith.constant 0 : i32
          %dma_wait3A_347 = tpu.memref_slice %arg3[%add3A_243, %dma_wait3A_346] : memref<4096x200xi32, #tpu.memory_space<hbm>> -> memref<4x200xi32, #tpu.memory_space<hbm>>
          tpu.wait_dma2 semaphore(%run_scoped3A : memref<!tpu.dma_semaphore, #tpu.memory_space<semaphore_mem>>) src(%dma_wait3A_347 : memref<4x200xi32, #tpu.memory_space<hbm>>) dst(%arg5 : memref<4x200xi32, #tpu.memory_space<vmem>>)
          tpu.yield
        }) : () -> ()
        %dma_start3A_244 = arith.constant 0 : i32
        %dma_start3A_245 = arith.constant 0 : i32
        %dma_start3A_246 = arith.constant 0 : i32
        %dma_start3A_247 = arith.constant 0 : i32
        %dma_start3A_248 = tpu.memref_slice %arg7[%dma_start3A_245, %dma_start3A_246, %dma_start3A_247] : memref<4x200x64xf32, #tpu.memory_space<vmem>> -> memref<1x104x64xf32, #tpu.memory_space<vmem>>
        %dma_start3A_249 = tpu.memref_squeeze %dma_start3A_248 : memref<1x104x64xf32, #tpu.memory_space<vmem>> -> memref<104x64xf32, #tpu.memory_space<vmem>>
        %dma_start3A_250 = arith.constant 0 : i32
        %dma_start3A_251 = tpu.memref_slice %arg5[%dma_start3A_244, %dma_start3A_250] : memref<4x200xi32, #tpu.memory_space<vmem>> -> memref<1x104xi32, #tpu.memory_space<vmem>>
        %dma_start3A_252 = tpu.memref_squeeze %dma_start3A_251 : memref<1x104xi32, #tpu.memory_space<vmem>> -> memref<104xi32, #tpu.memory_space<vmem>>
        %dma_start3A_253 = arith.constant 0 : i32
        %dma_start3A_254 = arith.constant 0 : i32
        %dma_start3A_255 = tpu.memref_slice %arg2[%dma_start3A_253, %dma_start3A_254] : memref<1000000x64xf32, #tpu.memory_space<hbm>> -> memref<1000000x64xf32, #tpu.memory_space<hbm>>
        tpu.enqueue_indirect_dma source(%dma_start3A_255 : memref<1000000x64xf32, #tpu.memory_space<hbm>>) target(%dma_start3A_249 : memref<104x64xf32, #tpu.memory_space<vmem>>) offsets(%dma_start3A_252 : memref<104xi32, #tpu.memory_space<vmem>>) semaphore(%arg9 : memref<!tpu.dma_semaphore, #tpu.memory_space<semaphore_mem>>)
        %dma_start3A_256 = arith.constant 0 : i32
        %dma_start3A_257 = arith.constant 0 : i32
        %dma_start3A_258 = arith.constant 104 : i32
        %dma_start3A_259 = arith.constant 0 : i32
        %dma_start3A_260 = tpu.memref_slice %arg7[%dma_start3A_257, %dma_start3A_258, %dma_start3A_259] : memref<4x200x64xf32, #tpu.memory_space<vmem>> -> memref<1x96x64xf32, #tpu.memory_space<vmem>>
        %dma_start3A_261 = tpu.memref_squeeze %dma_start3A_260 : memref<1x96x64xf32, #tpu.memory_space<vmem>> -> memref<96x64xf32, #tpu.memory_space<vmem>>
        %dma_start3A_262 = arith.constant 104 : i32
        %dma_start3A_263 = tpu.memref_slice %arg5[%dma_start3A_256, %dma_start3A_262] : memref<4x200xi32, #tpu.memory_space<vmem>> -> memref<1x96xi32, #tpu.memory_space<vmem>>
        %dma_start3A_264 = tpu.memref_squeeze %dma_start3A_263 : memref<1x96xi32, #tpu.memory_space<vmem>> -> memref<96xi32, #tpu.memory_space<vmem>>
        %dma_start3A_265 = arith.constant 0 : i32
        %dma_start3A_266 = arith.constant 0 : i32
        %dma_start3A_267 = tpu.memref_slice %arg2[%dma_start3A_265, %dma_start3A_266] : memref<1000000x64xf32, #tpu.memory_space<hbm>> -> memref<1000000x64xf32, #tpu.memory_space<hbm>>
        tpu.enqueue_indirect_dma source(%dma_start3A_267 : memref<1000000x64xf32, #tpu.memory_space<hbm>>) target(%dma_start3A_261 : memref<96x64xf32, #tpu.memory_space<vmem>>) offsets(%dma_start3A_264 : memref<96xi32, #tpu.memory_space<vmem>>) semaphore(%arg9 : memref<!tpu.dma_semaphore, #tpu.memory_space<semaphore_mem>>)
        %dma_start3A_268 = arith.constant 1 : i32
        %dma_start3A_269 = arith.constant 1 : i32
        %dma_start3A_270 = arith.constant 0 : i32
        %dma_start3A_271 = arith.constant 0 : i32
        %dma_start3A_272 = tpu.memref_slice %arg7[%dma_start3A_269, %dma_start3A_270, %dma_start3A_271] : memref<4x200x64xf32, #tpu.memory_space<vmem>> -> memref<1x104x64xf32, #tpu.memory_space<vmem>>
        %dma_start3A_273 = tpu.memref_squeeze %dma_start3A_272 : memref<1x104x64xf32, #tpu.memory_space<vmem>> -> memref<104x64xf32, #tpu.memory_space<vmem>>
        %dma_start3A_274 = arith.constant 0 : i32
        %dma_start3A_275 = tpu.memref_slice %arg5[%dma_start3A_268, %dma_start3A_274] : memref<4x200xi32, #tpu.memory_space<vmem>> -> memref<1x104xi32, #tpu.memory_space<vmem>>
        %dma_start3A_276 = tpu.memref_squeeze %dma_start3A_275 : memref<1x104xi32, #tpu.memory_space<vmem>> -> memref<104xi32, #tpu.memory_space<vmem>>
        %dma_start3A_277 = arith.constant 0 : i32
        %dma_start3A_278 = arith.constant 0 : i32
        %dma_start3A_279 = tpu.memref_slice %arg2[%dma_start3A_277, %dma_start3A_278] : memref<1000000x64xf32, #tpu.memory_space<hbm>> -> memref<1000000x64xf32, #tpu.memory_space<hbm>>
        tpu.enqueue_indirect_dma source(%dma_start3A_279 : memref<1000000x64xf32, #tpu.memory_space<hbm>>) target(%dma_start3A_273 : memref<104x64xf32, #tpu.memory_space<vmem>>) offsets(%dma_start3A_276 : memref<104xi32, #tpu.memory_space<vmem>>) semaphore(%arg9 : memref<!tpu.dma_semaphore, #tpu.memory_space<semaphore_mem>>)
        %dma_start3A_280 = arith.constant 1 : i32
        %dma_start3A_281 = arith.constant 1 : i32
        %dma_start3A_282 = arith.constant 104 : i32
        %dma_start3A_283 = arith.constant 0 : i32
        %dma_start3A_284 = tpu.memref_slice %arg7[%dma_start3A_281, %dma_start3A_282, %dma_start3A_283] : memref<4x200x64xf32, #tpu.memory_space<vmem>> -> memref<1x96x64xf32, #tpu.memory_space<vmem>>
        %dma_start3A_285 = tpu.memref_squeeze %dma_start3A_284 : memref<1x96x64xf32, #tpu.memory_space<vmem>> -> memref<96x64xf32, #tpu.memory_space<vmem>>
        %dma_start3A_286 = arith.constant 104 : i32
        %dma_start3A_287 = tpu.memref_slice %arg5[%dma_start3A_280, %dma_start3A_286] : memref<4x200xi32, #tpu.memory_space<vmem>> -> memref<1x96xi32, #tpu.memory_space<vmem>>
        %dma_start3A_288 = tpu.memref_squeeze %dma_start3A_287 : memref<1x96xi32, #tpu.memory_space<vmem>> -> memref<96xi32, #tpu.memory_space<vmem>>
        %dma_start3A_289 = arith.constant 0 : i32
        %dma_start3A_290 = arith.constant 0 : i32
        %dma_start3A_291 = tpu.memref_slice %arg2[%dma_start3A_289, %dma_start3A_290] : memref<1000000x64xf32, #tpu.memory_space<hbm>> -> memref<1000000x64xf32, #tpu.memory_space<hbm>>
        tpu.enqueue_indirect_dma source(%dma_start3A_291 : memref<1000000x64xf32, #tpu.memory_space<hbm>>) target(%dma_start3A_285 : memref<96x64xf32, #tpu.memory_space<vmem>>) offsets(%dma_start3A_288 : memref<96xi32, #tpu.memory_space<vmem>>) semaphore(%arg9 : memref<!tpu.dma_semaphore, #tpu.memory_space<semaphore_mem>>)
        %dma_start3A_292 = arith.constant 2 : i32
        %dma_start3A_293 = arith.constant 2 : i32
        %dma_start3A_294 = arith.constant 0 : i32
        %dma_start3A_295 = arith.constant 0 : i32
        %dma_start3A_296 = tpu.memref_slice %arg7[%dma_start3A_293, %dma_start3A_294, %dma_start3A_295] : memref<4x200x64xf32, #tpu.memory_space<vmem>> -> memref<1x104x64xf32, #tpu.memory_space<vmem>>
        %dma_start3A_297 = tpu.memref_squeeze %dma_start3A_296 : memref<1x104x64xf32, #tpu.memory_space<vmem>> -> memref<104x64xf32, #tpu.memory_space<vmem>>
        %dma_start3A_298 = arith.constant 0 : i32
        %dma_start3A_299 = tpu.memref_slice %arg5[%dma_start3A_292, %dma_start3A_298] : memref<4x200xi32, #tpu.memory_space<vmem>> -> memref<1x104xi32, #tpu.memory_space<vmem>>
        %dma_start3A_300 = tpu.memref_squeeze %dma_start3A_299 : memref<1x104xi32, #tpu.memory_space<vmem>> -> memref<104xi32, #tpu.memory_space<vmem>>
        %dma_start3A_301 = arith.constant 0 : i32
        %dma_start3A_302 = arith.constant 0 : i32
        %dma_start3A_303 = tpu.memref_slice %arg2[%dma_start3A_301, %dma_start3A_302] : memref<1000000x64xf32, #tpu.memory_space<hbm>> -> memref<1000000x64xf32, #tpu.memory_space<hbm>>
        tpu.enqueue_indirect_dma source(%dma_start3A_303 : memref<1000000x64xf32, #tpu.memory_space<hbm>>) target(%dma_start3A_297 : memref<104x64xf32, #tpu.memory_space<vmem>>) offsets(%dma_start3A_300 : memref<104xi32, #tpu.memory_space<vmem>>) semaphore(%arg9 : memref<!tpu.dma_semaphore, #tpu.memory_space<semaphore_mem>>)
        %dma_start3A_304 = arith.constant 2 : i32
        %dma_start3A_305 = arith.constant 2 : i32
        %dma_start3A_306 = arith.constant 104 : i32
        %dma_start3A_307 = arith.constant 0 : i32
        %dma_start3A_308 = tpu.memref_slice %arg7[%dma_start3A_305, %dma_start3A_306, %dma_start3A_307] : memref<4x200x64xf32, #tpu.memory_space<vmem>> -> memref<1x96x64xf32, #tpu.memory_space<vmem>>
        %dma_start3A_309 = tpu.memref_squeeze %dma_start3A_308 : memref<1x96x64xf32, #tpu.memory_space<vmem>> -> memref<96x64xf32, #tpu.memory_space<vmem>>
        %dma_start3A_310 = arith.constant 104 : i32
        %dma_start3A_311 = tpu.memref_slice %arg5[%dma_start3A_304, %dma_start3A_310] : memref<4x200xi32, #tpu.memory_space<vmem>> -> memref<1x96xi32, #tpu.memory_space<vmem>>
        %dma_start3A_312 = tpu.memref_squeeze %dma_start3A_311 : memref<1x96xi32, #tpu.memory_space<vmem>> -> memref<96xi32, #tpu.memory_space<vmem>>
        %dma_start3A_313 = arith.constant 0 : i32
        %dma_start3A_314 = arith.constant 0 : i32
        %dma_start3A_315 = tpu.memref_slice %arg2[%dma_start3A_313, %dma_start3A_314] : memref<1000000x64xf32, #tpu.memory_space<hbm>> -> memref<1000000x64xf32, #tpu.memory_space<hbm>>
        tpu.enqueue_indirect_dma source(%dma_start3A_315 : memref<1000000x64xf32, #tpu.memory_space<hbm>>) target(%dma_start3A_309 : memref<96x64xf32, #tpu.memory_space<vmem>>) offsets(%dma_start3A_312 : memref<96xi32, #tpu.memory_space<vmem>>) semaphore(%arg9 : memref<!tpu.dma_semaphore, #tpu.memory_space<semaphore_mem>>)
        %dma_start3A_316 = arith.constant 3 : i32
        %dma_start3A_317 = arith.constant 3 : i32
        %dma_start3A_318 = arith.constant 0 : i32
        %dma_start3A_319 = arith.constant 0 : i32
        %dma_start3A_320 = tpu.memref_slice %arg7[%dma_start3A_317, %dma_start3A_318, %dma_start3A_319] : memref<4x200x64xf32, #tpu.memory_space<vmem>> -> memref<1x104x64xf32, #tpu.memory_space<vmem>>
        %dma_start3A_321 = tpu.memref_squeeze %dma_start3A_320 : memref<1x104x64xf32, #tpu.memory_space<vmem>> -> memref<104x64xf32, #tpu.memory_space<vmem>>
        %dma_start3A_322 = arith.constant 0 : i32
        %dma_start3A_323 = tpu.memref_slice %arg5[%dma_start3A_316, %dma_start3A_322] : memref<4x200xi32, #tpu.memory_space<vmem>> -> memref<1x104xi32, #tpu.memory_space<vmem>>
        %dma_start3A_324 = tpu.memref_squeeze %dma_start3A_323 : memref<1x104xi32, #tpu.memory_space<vmem>> -> memref<104xi32, #tpu.memory_space<vmem>>
        %dma_start3A_325 = arith.constant 0 : i32
        %dma_start3A_326 = arith.constant 0 : i32
        %dma_start3A_327 = tpu.memref_slice %arg2[%dma_start3A_325, %dma_start3A_326] : memref<1000000x64xf32, #tpu.memory_space<hbm>> -> memref<1000000x64xf32, #tpu.memory_space<hbm>>
        tpu.enqueue_indirect_dma source(%dma_start3A_327 : memref<1000000x64xf32, #tpu.memory_space<hbm>>) target(%dma_start3A_321 : memref<104x64xf32, #tpu.memory_space<vmem>>) offsets(%dma_start3A_324 : memref<104xi32, #tpu.memory_space<vmem>>) semaphore(%arg9 : memref<!tpu.dma_semaphore, #tpu.memory_space<semaphore_mem>>)
        %dma_start3A_328 = arith.constant 3 : i32
        %dma_start3A_329 = arith.constant 3 : i32
        %dma_start3A_330 = arith.constant 104 : i32
        %dma_start3A_331 = arith.constant 0 : i32
        %dma_start3A_332 = tpu.memref_slice %arg7[%dma_start3A_329, %dma_start3A_330, %dma_start3A_331] : memref<4x200x64xf32, #tpu.memory_space<vmem>> -> memref<1x96x64xf32, #tpu.memory_space<vmem>>
        %dma_start3A_333 = tpu.memref_squeeze %dma_start3A_332 : memref<1x96x64xf32, #tpu.memory_space<vmem>> -> memref<96x64xf32, #tpu.memory_space<vmem>>
        %dma_start3A_334 = arith.constant 104 : i32
        %dma_start3A_335 = tpu.memref_slice %arg5[%dma_start3A_328, %dma_start3A_334] : memref<4x200xi32, #tpu.memory_space<vmem>> -> memref<1x96xi32, #tpu.memory_space<vmem>>
        %dma_start3A_336 = tpu.memref_squeeze %dma_start3A_335 : memref<1x96xi32, #tpu.memory_space<vmem>> -> memref<96xi32, #tpu.memory_space<vmem>>
        %dma_start3A_337 = arith.constant 0 : i32
        %dma_start3A_338 = arith.constant 0 : i32
        %dma_start3A_339 = tpu.memref_slice %arg2[%dma_start3A_337, %dma_start3A_338] : memref<1000000x64xf32, #tpu.memory_space<hbm>> -> memref<1000000x64xf32, #tpu.memory_space<hbm>>
        tpu.enqueue_indirect_dma source(%dma_start3A_339 : memref<1000000x64xf32, #tpu.memory_space<hbm>>) target(%dma_start3A_333 : memref<96x64xf32, #tpu.memory_space<vmem>>) offsets(%dma_start3A_336 : memref<96xi32, #tpu.memory_space<vmem>>) semaphore(%arg9 : memref<!tpu.dma_semaphore, #tpu.memory_space<semaphore_mem>>)
      } else {
      }
      %dma_wait3A_225 = arith.constant 0 : i32
      %dma_wait3A_226 = arith.constant 0 : i32
      %dma_wait3A_227 = arith.constant 0 : i32
      %dma_wait3A_228 = tpu.memref_slice %arg4[%dma_wait3A_225, %dma_wait3A_226, %dma_wait3A_227] : memref<4096x200x64xf32, #tpu.memory_space<hbm>> -> memref<4x200x64xf32, #tpu.memory_space<hbm>>
      %dma_wait3A_229 = arith.constant 0 : i32
      %dma_wait3A_230 = arith.constant 0 : i32
      %dma_wait3A_231 = arith.constant 0 : i32
      %dma_wait3A_232 = tpu.memref_slice %arg4[%dma_wait3A_229, %dma_wait3A_230, %dma_wait3A_231] : memref<4096x200x64xf32, #tpu.memory_space<hbm>> -> memref<4x200x64xf32, #tpu.memory_space<hbm>>
      tpu.wait_dma2 semaphore(%arg10 : memref<!tpu.dma_semaphore, #tpu.memory_space<semaphore_mem>>) src(%dma_wait3A_232 : memref<4x200x64xf32, #tpu.memory_space<hbm>>) dst(%arg8 : memref<4x200x64xf32, #tpu.memory_space<vmem>>)
      %add3A_233 = arith.constant 1 : i32
      %add3A_234 = arith.addi %mul3A_109, %add3A_233 : i32
      %mul3A_235 = arith.constant 4 : i32
      %mul3A_236 = arith.muli %add3A_234, %mul3A_235 : i32
      %add3A_237 = arith.addi %mul3A_2, %mul3A_236 : i32
      "tpu.region"() ({
        %run_scoped3A = tpu.sem_alloc : memref<!tpu.dma_semaphore, #tpu.memory_space<semaphore_mem>>
        %dma_start3A_239 = arith.constant 0 : i32
        %dma_start3A_240 = arith.constant 0 : i32
        %dma_start3A_241 = tpu.memref_slice %arg4[%add3A_237, %dma_start3A_239, %dma_start3A_240] : memref<4096x200x64xf32, #tpu.memory_space<hbm>> -> memref<4x200x64xf32, #tpu.memory_space<hbm>>
        %dma_start3A_242 = arith.constant 0 : i32
        %dma_start3A_243 = arith.constant 0 : i32
        %dma_start3A_244 = tpu.memref_slice %arg4[%add3A_237, %dma_start3A_242, %dma_start3A_243] : memref<4096x200x64xf32, #tpu.memory_space<hbm>> -> memref<4x200x64xf32, #tpu.memory_space<hbm>>
        tpu.enqueue_dma source(%arg8 : memref<4x200x64xf32, #tpu.memory_space<vmem>>) target(%dma_start3A_244 : memref<4x200x64xf32, #tpu.memory_space<hbm>>) target_semaphore(%run_scoped3A : memref<!tpu.dma_semaphore, #tpu.memory_space<semaphore_mem>>)
        %dma_wait3A_245 = arith.constant 0 : i32
        %dma_wait3A_246 = arith.constant 0 : i32
        %dma_wait3A_247 = tpu.memref_slice %arg4[%add3A_237, %dma_wait3A_245, %dma_wait3A_246] : memref<4096x200x64xf32, #tpu.memory_space<hbm>> -> memref<4x200x64xf32, #tpu.memory_space<hbm>>
        %dma_wait3A_248 = arith.constant 0 : i32
        %dma_wait3A_249 = arith.constant 0 : i32
        %dma_wait3A_250 = tpu.memref_slice %arg4[%add3A_237, %dma_wait3A_248, %dma_wait3A_249] : memref<4096x200x64xf32, #tpu.memory_space<hbm>> -> memref<4x200x64xf32, #tpu.memory_space<hbm>>
        tpu.wait_dma2 semaphore(%run_scoped3A : memref<!tpu.dma_semaphore, #tpu.memory_space<semaphore_mem>>) src(%arg8 : memref<4x200x64xf32, #tpu.memory_space<vmem>>) dst(%dma_wait3A_250 : memref<4x200x64xf32, #tpu.memory_space<hbm>>)
        tpu.yield
      }) : () -> ()
      %scan3A_238 = arith.constant 0 : i32
      scf.yield %scan3A_238 : i32
    }
    %scan3A_105 = arith.constant 16 : i32
    return
  }
}

</mosaic_0001>

<sc_bundles>
// kernel: kernel.3.cloned.1.call-start
scs
__scs_entry_jumppad:
0x0: {  	(pc) =	sbr.rel $0x88, $3  }
0x1: {  	(tag) =	ssettag $0x0;
	lr =	simm.s32 $0x1  }
0x2: {  	[smem:$0x3F9F] =	sst lr;
	_ =	strace $0xD0000000  }
0x3: {  	_ = 	snop  }
0x4: {  	_ = 	snop  }
0x5: {  	_ = 	snop  }
0x6: {  	_ = 	snop  }
0x7: {  	_ = 	snop  }
__scs_overlays_trampoline_lowered:
0x8: {  	[smem:$0x3FAE] =	sst s0  }
0x9: {  	[smem:$0x3FAF] =	sst s1  }
0xa: {  	[smem:$0x3FB0] =	sst s2  }
0xb: {  	[smem:$0x3FB1] =	sst s3  }
0xc: {  	[smem:$0x3FB2] =	sst s4  }
0xd: {  	[smem:$0x3FB3] =	sst s5  }
0xe: {  	[smem:$0x3FB4] =	sst s6  }
0xf: {  	[smem:$0x3FB5] =	sst s7  }
0x10: {  	[smem:$0x3FB6] =	sst s8  }
0x11: {  	[smem:$0x3FB7] =	sst s9;
	s0 =	simm.s32 @!p0 $0x0  }
0x12: {  	s1 =	sld [smem:$0x3F9D];
	s0 =	simm.s32 @p0 $0x1  }
0x13: {  	[smem:$0x3FB8] =	sst s0;
	s0 =	simm.s32 @!p1 $0x0  }
0x14: {  	s2 =	sld [smem:$0x3F9C];
	s0 =	simm.s32 @p1 $0x1  }
0x15: {  	[smem:$0x3FB9] =	sst s0;
	s0 =	simm.s32 @!p2 $0x0  }
0x16: {  	s3 =	sld [smem:$0x3FDB];
	s0 =	simm.s32 @p2 $0x1  }
0x17: {  	s4 =	simm.s32 $0x1BF5;
	[smem:$0x3FBB] =	sst s0  }
0x18: {  	s0 =	sld [smem:$0x3F9E];
	_ =	swait.ge [sflag:s4], $0x0  }
0x19: {  	s7 =	sld [smem:$0x3F9F]  }
0x1a: {  	s8 =	sadd.s32 $0xFFFFE003, lr  }
0x1b: {  	s9 =	sadd.s32 $0xFFFFFEF7, lr;
	s5 =	simm.s32 $0xFFFFFFFF;
	p2 =	slt.u32 s8, $0xFFFFF086  }
0x1c: {  	p1 =	slt.u32 s9, $0xF7A;
	s5 =	simm.s32 @!p2 $0x0  }
0x1d: {  	s5 =	simm.s32 @p1 $0x1;
	p0 =	seq.s32 s7, s2  }
0x1e: {  	s7 =	smul.u32 @!p0 $0xF7A, s2;
	p2 =	seq.s32 @!p0 s5, $0x0  }
0x1f: {  	s9 =	smul.u32 $0xF7A, s1;
	s8 =	simm.s32 @!p0 $0x1BF5;
	p2 =	por !p2, p0  }
0x20: {  	[sflag:s8] =	ssyncset.s32 @!p0 $0xFFFFF086;
	s6 =	sadd.s32 @!p0 s3, s7;
	s7 =	simm.s32 @!p0 $0x108  }
0x21: {  	s3 =	sadd.s32 s3, s9;
	s6 =	sadd.s32 @!p0 $0x88, s6;
	s7 =	simm.s32 @p2 $0x1082  }
0x22: {  	[simem:s7], [sflag:s8] =	dma.local @!p0 [hbm:s6], $0xF7A  }
0x23: {  	s9 =	sor.u32 $0xD0000000, s2;
	s6 =	simm.s32 $0x108;
	_ =	swait.ge @!p0 [sflag:s8], $0x0  }
0x24: {  	s3 =	sadd.s32 $0x88, s3;
	s6 =	simm.s32 @!p1 $0x1082;
	[sflag:s4] =	ssyncset.s32 $0xFFFFF086  }
0x25: {  	[simem:s6], [sflag:s4] =	dma.local [hbm:s3], $0xF7A  }
0x26: {  	[smem:$0x3F9F] =	sst s1;
	(tag) =	ssettag s2;
	_ =	strace s9  }
0x27: {  	s1 =	sld [smem:$0x3FAF]  }
0x28: {  	s2 =	sld [smem:$0x3FB0]  }
0x29: {  	s4 =	sld [smem:$0x3FB2]  }
0x2a: {  	p0 =	seq.s32 s5, $0x0;
	s5 =	sld [smem:$0x3FB3]  }
0x2b: {  	s6 =	sld [smem:$0x3FB4]  }
0x2c: {  	s7 =	sld [smem:$0x3FB5]  }
0x2d: {  	s3 =	simm.s32 $0x108;
	s8 =	sld [smem:$0x3FB6]  }
0x2e: {  	s3 =	simm.s32 @!p0 $0x1082;
	s9 =	sld [smem:$0x3FB7]  }
0x2f: {  	lr =	sadd.s32 s0, s3;
	s0 =	sld [smem:$0x3FAE]  }
0x30: {  	s3 =	sld [smem:$0x3FB1]  }
0x31: {  	[smem:$0x3FBA] =	sst s10  }
0x32: {  	s10 =	sld [smem:$0x3FB8];
	_ =	sdelay $0x3  }
0x33: {  	p0 =	seq.s32 s10, $0x1;
	s10 =	sld [smem:$0x3FBA];
	_ =	sdelay $0x3  }
0x34: {  	[smem:$0x3FBA] =	sst s10  }
0x35: {  	s10 =	sld [smem:$0x3FB9];
	_ =	sdelay $0x3  }
0x36: {  	p1 =	seq.s32 s10, $0x1;
	s10 =	sld [smem:$0x3FBA];
	_ =	sdelay $0x3  }
0x37: {  	[smem:$0x3FBA] =	sst s10  }
0x38: {  	s10 =	sld [smem:$0x3FBB]  }
0x39: {  	_ = 	snop;
	(pc) =	sbr.ind lr, $3  }
0x3a: {  	_ = 	snop  }
0x3b: {  	_ = 	snop  }
0x3c: {  	p2 =	seq.s32 s10, $0x1;
	s10 =	sld [smem:$0x3FBA]  }
0x3d: {  	_ =	shalt  }
0x3e: {  	_ =	shalt  }
0x3f: {  	_ =	shalt  }
0x40: {  	_ =	shalt  }
0x41: {  	_ =	shalt  }
0x42: {  	_ =	shalt  }
0x43: {  	_ =	shalt  }
0x44: {  	_ =	shalt  }
0x45: {  	_ =	shalt  }
0x46: {  	_ =	shalt  }
0x47: {  	_ =	shalt  }
0x48: {  	_ =	shalt  }
0x49: {  	_ =	shalt  }
0x4a: {  	_ =	shalt  }
0x4b: {  	_ =	shalt  }
0x4c: {  	_ =	shalt  }
0x4d: {  	_ =	shalt  }
0x4e: {  	_ =	shalt  }
0x4f: {  	_ =	shalt  }
0x50: {  	_ =	shalt  }
0x51: {  	_ =	shalt  }
0x52: {  	_ =	shalt  }
0x53: {  	_ =	shalt  }
0x54: {  	_ =	shalt  }
0x55: {  	_ =	shalt  }
0x56: {  	_ =	shalt  }
0x57: {  	_ =	shalt  }
0x58: {  	_ =	shalt  }
0x59: {  	_ =	shalt  }
0x5a: {  	_ =	shalt  }
0x5b: {  	_ =	shalt  }
0x5c: {  	_ =	shalt  }
0x5d: {  	_ =	shalt  }
0x5e: {  	_ =	shalt  }
0x5f: {  	_ =	shalt  }
0x60: {  	_ =	shalt  }
0x61: {  	_ =	shalt  }
0x62: {  	_ =	shalt  }
0x63: {  	_ =	shalt  }
0x64: {  	_ =	shalt  }
0x65: {  	_ =	shalt  }
0x66: {  	_ =	shalt  }
0x67: {  	_ =	shalt  }
0x68: {  	_ =	shalt  }
0x69: {  	_ =	shalt  }
0x6a: {  	_ =	shalt  }
0x6b: {  	_ =	shalt  }
0x6c: {  	_ =	shalt  }
0x6d: {  	_ =	shalt  }
0x6e: {  	_ =	shalt  }
0x6f: {  	_ =	shalt  }
0x70: {  	_ =	shalt  }
0x71: {  	_ =	shalt  }
0x72: {  	_ =	shalt  }
0x73: {  	_ =	shalt  }
0x74: {  	_ =	shalt  }
0x75: {  	_ =	shalt  }
0x76: {  	_ =	shalt  }
0x77: {  	_ =	shalt  }
0x78: {  	_ =	shalt  }
0x79: {  	_ =	shalt  }
0x7a: {  	_ =	shalt  }
0x7b: {  	_ =	shalt  }
0x7c: {  	_ =	shalt  }
0x7d: {  	_ =	shalt  }
0x7e: {  	_ =	shalt  }
0x7f: {  	_ =	shalt  }
0x80: {  	_ =	shalt  }
0x81: {  	_ =	shalt  }
0x82: {  	_ =	shalt  }
0x83: {  	_ =	shalt  }
0x84: {  	_ =	shalt  }
0x85: {  	_ =	shalt  }
0x86: {  	_ =	shalt  }
0x87: {  	_ =	shalt  }
.Lfunc_end0:
.L_simem_size_0:
called_computation.1_lowered:
.L_overlay_start_0:
0x88: {  	s2 =	sld [smem:$0x3FD9]  }
0x89: {  	s3 =	sld [smem:$0x3FFE];
	_ =	sdelay $0x1  }
0x8a: {  	s1 =	srdreg.scid  }
0x8b: {  	s0 =	sand.u32 $0x1, s1  }
0x8c: {  	s17 =	sshll.u32 s0, $0xA;
	s2 =	sadd.s32 s3, s2  }
0x8d: {  	s2 =	sadd.s32 s2, s17  }
0x8e: {  	[smem:$0x3FC6] =	sst s2  }
0x8f: {  	_ = 	snop  }
0x90: {  	s2 =	sld [smem:$0x3FD0];
	(tm) =	ssettm $0x1  }
0x91: {  	s18 =	sld [smem:$0x3FFB];
	_ =	sdelay $0x3  }
0x92: {  	_ =	strace s18  }
0x93: {  	s3 =	sld [smem:$0x3FFC];
	_ =	sdelay $0x3  }
0x94: {  	_ =	strace s3  }
0x95: {  	s3 =	sld [smem:$0x3FFD];
	_ =	sdelay $0x3  }
0x96: {  	_ =	strace s3  }
0x97: {  	_ =	strace $0x8FFFFFFF  }
0x98: {  	s19 =	sld [smem:$0x3FDB];
	_ =	sdelay $0x1  }
0x99: {  	s4 =	simm.s32 $_scs_section_size  }
0x9a: {  	s5 =	simm.s32 $_size__tile_overlayer_lowered;
	s6 =	simm.s32 $_tile_overlayer_lowered  }
0x9b: {  	s22 =	simm.s32 $0x1BFF;
	s21 =	sshll.u32 s6, $0x1;
	s3 =	sadd.s32 s4, s19  }
0x9c: {  	s7 =	simm.s32 $0x0;
	s20 =	sshll.u32 s5, $0x1;
	s5 =	sadd.s32 s21, s3  }
0x9d: {  	[timem:s7], [sflag:s22] =	dma.local [hbm:s5], s20  }
0x9e: {  	_ =	swait.ge [sflag:s22], s20  }
0x9f: {  	s4 =	ssub.s32 $0x0, s20;
	[sflag:s22] =	ssyncset.done $0x0  }
0xa0: {  	[sflag:s22] =	ssyncadd.s32 s4;
	_ =	sdelay $0x1  }
0xa1: {  	s23 =	simm.s32 $0x1B8B  }
0xa2: {  	_ =	swait.ge [sflag:s23], $0x1  }
0xa3: {  	[sflag:s23] =	ssyncset.done $0x0  }
0xa4: {  	s25 =	simm.s32 $0x1B8E;
	s24 =	sld [smem:$0x3FFE];
	[sflag:s23] =	ssyncadd.s32 $0xFFFFFFFF  }
0xa5: {  	s26 =	simm.s32 $execute0_lowered;
	[smem:$0x3FD2] =	sst s25  }
0xa6: {  	s5 =	sshll.u32 s26, $0x1;
	_ =	strace $0x80000046;
	[dreg:$0x1] =	wrdreg $0xFFFFFFFF  }
0xa7: {  	s28 =	simm.s32 $_size_execute0_lowered;
	s3 =	sadd.s32 s3, s5;
	[dreg:$0x0] =	wrdreg $0x0  }
0xa8: {  	s5 =	sshll.u32 s28, $0x1;
	[dreg:$0x2] =	wrdreg s3  }
0xa9: {  	[dreg:$0x3] =	wrdreg s5  }
0xaa: {  	[dreg:$0x4] =	wrdreg $0xC0  }
0xab: {  	_ =	task [dreg:s7], $0x5FFFF  }
0xac: {  	[dreg:$0x1] =	wrdreg $0xFFFFFFFF  }
0xad: {  	[dreg:$0x0] =	wrdreg $0x60  }
0xae: {  	[dreg:$0x2] =	wrdreg s24  }
0xaf: {  	[dreg:$0x3] =	wrdreg s2  }
0xb0: {  	[dreg:$0x4] =	wrdreg $0x9  }
0xb1: {  	_ =	task.clear_ibuf [dreg:s7], $0x5FFFF;
	_ =	strace $0x90000046  }
0xb2: {  	s29 =	simm.s32 $0x9;
	_ =	strace $0x80000048  }
0xb3: {  	_ =	swait.ge [sflag:s29], $0x1  }
0xb4: {  	[sflag:s29] =	ssyncadd.s32 $0xFFFFFFFF  }
0xb5: {  	_ =	strace $0x90000048  }
0xb6: {  	_ =	sfence  }
0xb7: {  	s30 =	sld [smem:$0x0];
	_ =	sdelay $0x2  }
0xb8: {  	s31 =	sshll.u32 s1, $0xD;
	s1 =	sshrl.u32 s1, $0x2  }
0xb9: {  	s3 =	sand.u32 $0x4000, s31;
	s1 =	sadd.s32 s1, s30  }
0xba: {  	s0 =	sor.u32 s3, s0;
	s1 =	sshll.u32 s1, $0x11  }
0xbb: {  	s0 =	sor.u32 s1, s0  }
0xbc: {  	s0 =	sadd.s32 $0x8F2B, s0  }
0xbd: {  	[sflag:s0] =	ssyncadd.remote.s32 $0x1  }
0xbe: {  	_ =	sfence.sel $0xFFFF  }
0xbf: {  	[dreg:$0x0] =	wrdreg $0xFFFFFFFF;
	(pc) =	sbr.abs _section_cstart, $3  }
0xc0: {  	[dreg:$0x1] =	wrdreg $0xFFFFFFFF  }
0xc1: {  	_ =	task.clear_ibuf [dreg:s7], $0x2FFFF;
	_ =	strace $0x9FFFFFFF  }
0xc2: {  	(tm) =	ssettm $0x7FFFFFFF  }
0xc3: {  	_ =	shalt  }
tec
execute0_lowered:
.L_overlay_start_1:
0x0: {  	(tag) =	ssettag $0x1  }
0x1: {  	s0 =	srdreg.scid;
	s1 =	rddreg [dreg:$0x0]  }
0x2: {  	s12 =	stileid.u32;
	s4 =	rddreg [dreg:$0x1];
	s13 =	simm.s32 $0x60  }
0x3: {  	s28 =	simm.s32 $0x320;
	s29 =	simm.s32 $0xCE40;
	s14 =	simm.s32 $0x578  }
0x4: {  	s15 =	simm.s32 $0x16440;
	s16 =	simm.s32 $0x5E0;
	s17 =	simm.s32 $0x17E40  }
0x5: {  	s18 =	simm.s32 $0x1;
	s30 =	simm.s32 $0x5240;
	s11 =	smul.u32 $0x64000, s12  }
0x6: {  	s31 =	simm.s32 $0x190;
	s0 =	sand.u32 $0x1, s0;
	s21 =	smul.u32 $0x1900, s12  }
0x7: {  	s2 =	sshll.u32 s12, $0x8;
	s12 =	simm.s32 $0x640;
	s19 =	smul.u32 $0x32000, s0  }
0x8: {  	s3 =	sshll.u32 s0, $0x7;
	s8 =	ssub.s32 $0x2, s0;
	s0 =	smul.u32 $0xC80, s0  }
0x9: {  	s3 =	sor.u32 s3, s2;
	s2 =	simm.s32 $0x0;
	s10 =	sshrl.u32 s8, $0x1  }
0xa: {  	s23 =	sadd.s32 s11, s4;
	s11 =	simm.s32 $0x68;
	s5 =	smul.u32 $0x19, s3  }
0xb: {  	s6 =	sor.u32 $0x7C, s3;
	[smem:$0x7FF] =	sst s2;
	s9 =	smul.u32 $0x640, s3  }
0xc: {  	s3 =	sadd.s32 $0xF42E00, s1;
	s1 =	sadd.s32 $0xA00, s1;
	s8 =	ssub.s32 s8, s10  }
0xd: {  	s25 =	sadd.s32 s19, s23;
	s10 =	simm.s32 $0x3;
	s23 =	simm.s32 $0x2040  }
0xe: {  	s19 =	simm.s32 $0x2;
	s7 =	smul.u32 $0x19, s6;
	_ =	strace $0x80000047  }
0xf: {  	s20 =	smax.u32 s8, $0x1;
	s6 =	smul.u32 $0x640, s6;
	[dreg:$0x3] =	wrdreg s25  }
0x10: {  	s25 =	simm.s32 $0x5240;
	s8 =	simm.s32 $0xB640;
	s5 =	sadd.s32 s1, s5  }
0x11: {  	[dreg:$0x5] =	wrdreg s20;
	s22 =	sadd.s32 s4, s9;
	s9 =	simm.s32 $0x0  }
0x12: {  	[dreg:$0x4] =	wrdreg s5;
	s7 =	sadd.s32 s1, s7;
	s1 =	sadd.s32 s21, s1  }
0x13: {  	s24 =	sadd.s32 $0x2EE00, s22;
	s26 =	sadd.s32 s4, s6;
	s21 =	simm.s32 $0xC8  }
0x14: {  	s22 =	simm.s32 $0x3840;
	s4 =	simm.s32 $0x8440;
	[dreg:$0x6] =	wrdreg s7  }
0x15: {  	s5 =	simm.s32 $0x258;
	s6 =	simm.s32 $0x9C40;
	[dreg:$0x7] =	wrdreg s24  }
0x16: {  	s0 =	sadd.s32 s0, s1;
	[dreg:$0x8] =	wrdreg s26;
	s24 =	simm.s32 $0x130  }
0x17: {  	s26 =	simm.s32 $0x190;
	s1 =	simm.s32 $0x6A40;
	s0 =	sadd.s32 $0x64, s0  }
0x18: {  	s7 =	simm.s32 $0x2C0;
	[dreg:$0x9] =	wrdreg s0;
	s0 =	simm.s32 $0x1F8  }
.LBB2_1:
0x19: {  	[dreg:$0xa] =	wrdreg s9  }
0x1a: {  	s20 =	rddreg [dreg:$0x4]  }
0x1b: {  	[tilespmem:s2], [sflag:$0x3] =	stream.linear.gather [hbm4b:s20+s2], $0x320, $0x38;
	[tilespmem:$0x19640] =	vst v63  }
0x1c: {  	_ =	swait.ge [sflag:s10], $0x320  }
0x1d: {  	[sflag:s10] =	ssyncset.done $0x0  }
0x1e: {  	[sflag:s10] =	ssyncadd.s32 $0xFFFFFCE0  }
0x1f: {  	[tilespmem:s12], [sflag:$0x1] =	stream.indirect.gather [hbm4b:s3+s11], $0x40, s2, s11, $0xb8;
	[tilespmem:$0x19640] =	vst v63  }
0x20: {  	_ = 	snop  }
0x21: {  	[tilespmem:s23], [sflag:$0x1] =	stream.indirect.gather [hbm4b:s3+s13], $0x40, s11, s13, $0xb8;
	[tilespmem:$0x19640] =	vst v63  }
0x22: {  	_ = 	snop  }
0x23: {  	[tilespmem:s22], [sflag:$0x1] =	stream.indirect.gather [hbm4b:s3+s11], $0x40, s21, s11, $0xb8;
	[tilespmem:$0x19640] =	vst v63  }
0x24: {  	_ = 	snop  }
0x25: {  	[tilespmem:s25], [sflag:$0x1] =	stream.indirect.gather [hbm4b:s3+s13], $0x40, s24, s13, $0xb8;
	[tilespmem:$0x19640] =	vst v63  }
0x26: {  	_ = 	snop  }
0x27: {  	[tilespmem:s1], [sflag:$0x1] =	stream.indirect.gather [hbm4b:s3+s11], $0x40, s26, s11, $0xb8;
	[tilespmem:$0x19640] =	vst v63  }
0x28: {  	_ = 	snop  }
0x29: {  	[tilespmem:s4], [sflag:$0x1] =	stream.indirect.gather [hbm4b:s3+s13], $0x40, s0, s13, $0xb8;
	[tilespmem:$0x19640] =	vst v63  }
0x2a: {  	_ = 	snop  }
0x2b: {  	[tilespmem:s6], [sflag:$0x1] =	stream.indirect.gather [hbm4b:s3+s11], $0x40, s5, s11, $0xb8;
	[tilespmem:$0x19640] =	vst v63  }
0x2c: {  	_ = 	snop  }
0x2d: {  	[tilespmem:s8], [sflag:$0x1] =	stream.indirect.gather [hbm4b:s3+s13], $0x40, s7, s13, $0xb8;
	[tilespmem:$0x19640] =	vst v63  }
0x2e: {  	s22 =	rddreg [dreg:$0x9]  }
0x2f: {  	[tilespmem:s28], [sflag:$0x3] =	stream.linear.gather [hbm4b:s22+s2], $0x320, $0x38;
	[tilespmem:$0x19640] =	vst v63  }
0x30: {  	_ =	swait.ge [sflag:s10], $0x320  }
0x31: {  	[sflag:s10] =	ssyncset.done $0x0  }
0x32: {  	[sflag:s10] =	ssyncadd.s32 $0xFFFFFCE0  }
0x33: {  	[tilespmem:s29], [sflag:$0x2] =	stream.indirect.gather [hbm4b:s3+s11], $0x40, s28, s11, $0xb8;
	[tilespmem:$0x19640] =	vst v63  }
0x34: {  	s9 =	simm.s32 $0xE840;
	s26 =	simm.s32 $0x388  }
0x35: {  	[tilespmem:s9], [sflag:$0x2] =	stream.indirect.gather [hbm4b:s3+s13], $0x40, s26, s13, $0xb8;
	[tilespmem:$0x19640] =	vst v63  }
0x36: {  	s24 =	simm.s32 $0x3E8;
	s26 =	simm.s32 $0x10040  }
0x37: {  	[tilespmem:s26], [sflag:$0x2] =	stream.indirect.gather [hbm4b:s3+s11], $0x40, s24, s11, $0xb8;
	[tilespmem:$0x19640] =	vst v63  }
0x38: {  	s20 =	simm.s32 $0x450;
	s21 =	simm.s32 $0x11A40  }
0x39: {  	[tilespmem:s21], [sflag:$0x2] =	stream.indirect.gather [hbm4b:s3+s13], $0x40, s20, s13, $0xb8;
	[tilespmem:$0x19640] =	vst v63  }
0x3a: {  	s24 =	simm.s32 $0x4B0;
	s26 =	simm.s32 $0x13240  }
0x3b: {  	[tilespmem:s26], [sflag:$0x2] =	stream.indirect.gather [hbm4b:s3+s11], $0x40, s24, s11, $0xb8;
	[tilespmem:$0x19640] =	vst v63  }
0x3c: {  	s21 =	simm.s32 $0x518;
	s24 =	simm.s32 $0x14C40  }
0x3d: {  	[tilespmem:s24], [sflag:$0x2] =	stream.indirect.gather [hbm4b:s3+s13], $0x40, s21, s13, $0xb8;
	[tilespmem:$0x19640] =	vst v63  }
0x3e: {  	_ = 	snop  }
0x3f: {  	[tilespmem:s15], [sflag:$0x2] =	stream.indirect.gather [hbm4b:s3+s11], $0x40, s14, s11, $0xb8;
	[tilespmem:$0x19640] =	vst v63  }
0x40: {  	_ = 	snop  }
0x41: {  	[tilespmem:s17], [sflag:$0x2] =	stream.indirect.gather [hbm4b:s3+s13], $0x40, s16, s13, $0xb8;
	[tilespmem:$0x19640] =	vst v63  }
0x42: {  	_ =	swait.ge [sflag:s18], $0xC800  }
0x43: {  	s26 =	rddreg [dreg:$0x3];
	[sflag:s18] =	ssyncset.done $0x0  }
0x44: {  	[sflag:s18] =	ssyncadd.s32 $0xFFFF3800;
	s20 =	sadd.s32 $0x0, s26  }
0x45: {  	[hbm4b:s20+s2] =	stream.linear.scatter [tilespmem:s12], [sflag:$0x3], $0xC800, $0x38;
	[tilespmem:$0x19640] =	vst v63  }
0x46: {  	_ =	swait.ge [sflag:s10], $0xC800  }
0x47: {  	[sflag:s10] =	ssyncset.done $0x0  }
0x48: {  	s9 =	sadd.s32 $0x64, s22;
	[sflag:s10] =	ssyncadd.s32 $0xFFFF3800  }
0x49: {  	[tilespmem:s2], [sflag:$0x3] =	stream.linear.gather [hbm4b:s9+s2], $0x320, $0x38;
	[tilespmem:$0x19640] =	vst v63  }
0x4a: {  	_ =	swait.ge [sflag:s10], $0x320  }
0x4b: {  	[sflag:s10] =	ssyncset.done $0x0  }
0x4c: {  	[sflag:s10] =	ssyncadd.s32 $0xFFFFFCE0  }
0x4d: {  	[tilespmem:s12], [sflag:$0x1] =	stream.indirect.gather [hbm4b:s3+s11], $0x40, s2, s11, $0xb8;
	[tilespmem:$0x19640] =	vst v63  }
0x4e: {  	_ = 	snop  }
0x4f: {  	[tilespmem:s23], [sflag:$0x1] =	stream.indirect.gather [hbm4b:s3+s13], $0x40, s11, s13, $0xb8;
	[tilespmem:$0x19640] =	vst v63  }
0x50: {  	s25 =	simm.s32 $0x3840;
	s24 =	simm.s32 $0xC8  }
0x51: {  	[tilespmem:s25], [sflag:$0x1] =	stream.indirect.gather [hbm4b:s3+s11], $0x40, s24, s11, $0xb8;
	[tilespmem:$0x19640] =	vst v63  }
0x52: {  	s26 =	simm.s32 $0x130  }
0x53: {  	[tilespmem:s30], [sflag:$0x1] =	stream.indirect.gather [hbm4b:s3+s13], $0x40, s26, s13, $0xb8;
	[tilespmem:$0x19640] =	vst v63  }
0x54: {  	s1 =	simm.s32 $0x6A40  }
0x55: {  	[tilespmem:s1], [sflag:$0x1] =	stream.indirect.gather [hbm4b:s3+s11], $0x40, s31, s11, $0xb8;
	[tilespmem:$0x19640] =	vst v63  }
0x56: {  	s0 =	simm.s32 $0x1F8;
	s4 =	simm.s32 $0x8440  }
0x57: {  	[tilespmem:s4], [sflag:$0x1] =	stream.indirect.gather [hbm4b:s3+s13], $0x40, s0, s13, $0xb8;
	[tilespmem:$0x19640] =	vst v63  }
0x58: {  	s5 =	simm.s32 $0x258;
	s6 =	simm.s32 $0x9C40  }
0x59: {  	[tilespmem:s6], [sflag:$0x1] =	stream.indirect.gather [hbm4b:s3+s11], $0x40, s5, s11, $0xb8;
	[tilespmem:$0x19640] =	vst v63  }
0x5a: {  	s7 =	simm.s32 $0x2C0;
	s8 =	simm.s32 $0xB640  }
0x5b: {  	[tilespmem:s8], [sflag:$0x1] =	stream.indirect.gather [hbm4b:s3+s13], $0x40, s7, s13, $0xb8;
	[tilespmem:$0x19640] =	vst v63  }
0x5c: {  	_ =	swait.ge [sflag:s19], $0xC800  }
0x5d: {  	[sflag:s19] =	ssyncset.done $0x0  }
0x5e: {  	s20 =	sadd.s32 $0x1900, s20;
	[sflag:s19] =	ssyncadd.s32 $0xFFFF3800  }
0x5f: {  	[hbm4b:s20+s2] =	stream.linear.scatter [tilespmem:s29], [sflag:$0x3], $0xC800, $0x38;
	[tilespmem:$0x19640] =	vst v63  }
0x60: {  	_ =	swait.ge [sflag:s10], $0xC800  }
0x61: {  	s21 =	smov.u32 s22;
	s20 =	simm.s32 $0x3200;
	[sflag:s10] =	ssyncset.done $0x0  }
.LBB2_2:
0x62: {  	[sflag:s10] =	ssyncadd.s32 $0xFFFF3800;
	s21 =	sadd.s32 $0xC8, s21  }
0x63: {  	[tilespmem:s28], [sflag:$0x3] =	stream.linear.gather [hbm4b:s21+s2], $0x320, $0x38;
	[tilespmem:$0x19640] =	vst v63  }
0x64: {  	_ =	swait.ge [sflag:s10], $0x320  }
0x65: {  	[sflag:s10] =	ssyncset.done $0x0  }
0x66: {  	[sflag:s10] =	ssyncadd.s32 $0xFFFFFCE0  }
0x67: {  	[tilespmem:s29], [sflag:$0x2] =	stream.indirect.gather [hbm4b:s3+s11], $0x40, s28, s11, $0xb8;
	[tilespmem:$0x19640] =	vst v63  }
0x68: {  	s23 =	simm.s32 $0x388;
	s9 =	simm.s32 $0xE840  }
0x69: {  	[tilespmem:s9], [sflag:$0x2] =	stream.indirect.gather [hbm4b:s3+s13], $0x40, s23, s13, $0xb8;
	[tilespmem:$0x19640] =	vst v63  }
0x6a: {  	s9 =	simm.s32 $0x3E8;
	s23 =	simm.s32 $0x10040  }
0x6b: {  	[tilespmem:s23], [sflag:$0x2] =	stream.indirect.gather [hbm4b:s3+s11], $0x40, s9, s11, $0xb8;
	[tilespmem:$0x19640] =	vst v63  }
0x6c: {  	s9 =	simm.s32 $0x450;
	s23 =	simm.s32 $0x11A40  }
0x6d: {  	[tilespmem:s23], [sflag:$0x2] =	stream.indirect.gather [hbm4b:s3+s13], $0x40, s9, s13, $0xb8;
	[tilespmem:$0x19640] =	vst v63  }
0x6e: {  	s9 =	simm.s32 $0x4B0;
	s23 =	simm.s32 $0x13240  }
0x6f: {  	[tilespmem:s23], [sflag:$0x2] =	stream.indirect.gather [hbm4b:s3+s11], $0x40, s9, s11, $0xb8;
	[tilespmem:$0x19640] =	vst v63  }
0x70: {  	s9 =	simm.s32 $0x518;
	s23 =	simm.s32 $0x14C40  }
0x71: {  	[tilespmem:s23], [sflag:$0x2] =	stream.indirect.gather [hbm4b:s3+s13], $0x40, s9, s13, $0xb8;
	[tilespmem:$0x19640] =	vst v63  }
0x72: {  	_ = 	snop  }
0x73: {  	[tilespmem:s15], [sflag:$0x2] =	stream.indirect.gather [hbm4b:s3+s11], $0x40, s14, s11, $0xb8;
	[tilespmem:$0x19640] =	vst v63  }
0x74: {  	_ = 	snop  }
0x75: {  	[tilespmem:s17], [sflag:$0x2] =	stream.indirect.gather [hbm4b:s3+s13], $0x40, s16, s13, $0xb8;
	[tilespmem:$0x19640] =	vst v63  }
0x76: {  	_ =	swait.ge [sflag:s18], $0xC800  }
0x77: {  	s22 =	smov.u32 s20;
	s9 =	rddreg [dreg:$0x3];
	[sflag:s18] =	ssyncset.done $0x0  }
0x78: {  	[sflag:s18] =	ssyncadd.s32 $0xFFFF3800;
	s22 =	sadd.s32 s22, s9  }
0x79: {  	[hbm4b:s22+s2] =	stream.linear.scatter [tilespmem:s12], [sflag:$0x3], $0xC800, $0x38;
	[tilespmem:$0x19640] =	vst v63  }
0x7a: {  	_ =	swait.ge [sflag:s10], $0xC800  }
0x7b: {  	[sflag:s10] =	ssyncset.done $0x0  }
0x7c: {  	s9 =	sadd.s32 $0x64, s21;
	[sflag:s10] =	ssyncadd.s32 $0xFFFF3800  }
0x7d: {  	[tilespmem:s2], [sflag:$0x3] =	stream.linear.gather [hbm4b:s9+s2], $0x320, $0x38;
	[tilespmem:$0x19640] =	vst v63  }
0x7e: {  	_ =	swait.ge [sflag:s10], $0x320  }
0x7f: {  	[sflag:s10] =	ssyncset.done $0x0  }
0x80: {  	[sflag:s10] =	ssyncadd.s32 $0xFFFFFCE0  }
0x81: {  	[tilespmem:s12], [sflag:$0x1] =	stream.indirect.gather [hbm4b:s3+s11], $0x40, s2, s11, $0xb8;
	[tilespmem:$0x19640] =	vst v63  }
0x82: {  	s23 =	simm.s32 $0x2040  }
0x83: {  	[tilespmem:s23], [sflag:$0x1] =	stream.indirect.gather [hbm4b:s3+s13], $0x40, s11, s13, $0xb8;
	[tilespmem:$0x19640] =	vst v63  }
0x84: {  	_ = 	snop  }
0x85: {  	[tilespmem:s25], [sflag:$0x1] =	stream.indirect.gather [hbm4b:s3+s11], $0x40, s24, s11, $0xb8;
	[tilespmem:$0x19640] =	vst v63  }
0x86: {  	_ = 	snop  }
0x87: {  	[tilespmem:s30], [sflag:$0x1] =	stream.indirect.gather [hbm4b:s3+s13], $0x40, s26, s13, $0xb8;
	[tilespmem:$0x19640] =	vst v63  }
0x88: {  	_ = 	snop  }
0x89: {  	[tilespmem:s1], [sflag:$0x1] =	stream.indirect.gather [hbm4b:s3+s11], $0x40, s31, s11, $0xb8;
	[tilespmem:$0x19640] =	vst v63  }
0x8a: {  	_ = 	snop  }
0x8b: {  	[tilespmem:s4], [sflag:$0x1] =	stream.indirect.gather [hbm4b:s3+s13], $0x40, s0, s13, $0xb8;
	[tilespmem:$0x19640] =	vst v63  }
0x8c: {  	_ = 	snop  }
0x8d: {  	[tilespmem:s6], [sflag:$0x1] =	stream.indirect.gather [hbm4b:s3+s11], $0x40, s5, s11, $0xb8;
	[tilespmem:$0x19640] =	vst v63  }
0x8e: {  	_ = 	snop  }
0x8f: {  	[tilespmem:s8], [sflag:$0x1] =	stream.indirect.gather [hbm4b:s3+s13], $0x40, s7, s13, $0xb8;
	[tilespmem:$0x19640] =	vst v63  }
0x90: {  	p0 =	sne.s32 s20, $0x2BC00;
	_ =	swait.ge [sflag:s19], $0xC800  }
.Ltmp0:
0x91: {  	[sflag:s19] =	ssyncset.done $0x0;
	(pc) =	sbr.rel @p0 .LBB2_2-.Ltmp0, $4  }
0x92: {  	s22 =	sadd.s32 $0x1900, s22;
	[sflag:s19] =	ssyncadd.s32 $0xFFFF3800  }
0x93: {  	[hbm4b:s22+s2] =	stream.linear.scatter [tilespmem:s29], [sflag:$0x3], $0xC800, $0x38;
	[tilespmem:$0x19640] =	vst v63  }
0x94: {  	_ =	swait.ge [sflag:s10], $0xC800  }
0x95: {  	s20 =	sadd.s32 $0x3200, s20;
	[sflag:s10] =	ssyncset.done $0x0  }
0x96: {  	[sflag:s10] =	ssyncadd.s32 $0xFFFF3800;
	s20 =	rddreg [dreg:$0x6]  }
0x97: {  	[tilespmem:s28], [sflag:$0x3] =	stream.linear.gather [hbm4b:s20+s2], $0x320, $0x38;
	[tilespmem:$0x19640] =	vst v63  }
0x98: {  	_ =	swait.ge [sflag:s10], $0x320  }
0x99: {  	[sflag:s10] =	ssyncset.done $0x0  }
0x9a: {  	[sflag:s10] =	ssyncadd.s32 $0xFFFFFCE0  }
0x9b: {  	[tilespmem:s29], [sflag:$0x2] =	stream.indirect.gather [hbm4b:s3+s11], $0x40, s28, s11, $0xb8;
	[tilespmem:$0x19640] =	vst v63  }
0x9c: {  	s0 =	simm.s32 $0x388;
	s1 =	simm.s32 $0xE840  }
0x9d: {  	[tilespmem:s1], [sflag:$0x2] =	stream.indirect.gather [hbm4b:s3+s13], $0x40, s0, s13, $0xb8;
	[tilespmem:$0x19640] =	vst v63  }
0x9e: {  	s5 =	simm.s32 $0x3E8;
	s6 =	simm.s32 $0x10040  }
0x9f: {  	[tilespmem:s6], [sflag:$0x2] =	stream.indirect.gather [hbm4b:s3+s11], $0x40, s5, s11, $0xb8;
	[tilespmem:$0x19640] =	vst v63  }
0xa0: {  	s7 =	simm.s32 $0x450;
	s8 =	simm.s32 $0x11A40  }
0xa1: {  	[tilespmem:s8], [sflag:$0x2] =	stream.indirect.gather [hbm4b:s3+s13], $0x40, s7, s13, $0xb8;
	[tilespmem:$0x19640] =	vst v63  }
0xa2: {  	s9 =	simm.s32 $0x4B0;
	s20 =	simm.s32 $0x13240  }
0xa3: {  	[tilespmem:s20], [sflag:$0x2] =	stream.indirect.gather [hbm4b:s3+s11], $0x40, s9, s11, $0xb8;
	[tilespmem:$0x19640] =	vst v63  }
0xa4: {  	s21 =	simm.s32 $0x518;
	s22 =	simm.s32 $0x14C40  }
0xa5: {  	[tilespmem:s22], [sflag:$0x2] =	stream.indirect.gather [hbm4b:s3+s13], $0x40, s21, s13, $0xb8;
	[tilespmem:$0x19640] =	vst v63  }
0xa6: {  	_ = 	snop  }
0xa7: {  	[tilespmem:s15], [sflag:$0x2] =	stream.indirect.gather [hbm4b:s3+s11], $0x40, s14, s11, $0xb8;
	[tilespmem:$0x19640] =	vst v63  }
0xa8: {  	_ = 	snop  }
0xa9: {  	[tilespmem:s17], [sflag:$0x2] =	stream.indirect.gather [hbm4b:s3+s13], $0x40, s16, s13, $0xb8;
	[tilespmem:$0x19640] =	vst v63  }
0xaa: {  	_ =	swait.ge [sflag:s18], $0xC800  }
0xab: {  	[sflag:s18] =	ssyncset.done $0x0  }
0xac: {  	s24 =	rddreg [dreg:$0x7];
	[sflag:s18] =	ssyncadd.s32 $0xFFFF3800  }
0xad: {  	[hbm4b:s24+s2] =	stream.linear.scatter [tilespmem:s12], [sflag:$0x3], $0xC800, $0x38;
	[tilespmem:$0x19640] =	vst v63  }
0xae: {  	_ =	swait.ge [sflag:s10], $0xC800  }
0xaf: {  	[sflag:s10] =	ssyncset.done $0x0  }
0xb0: {  	[sflag:s10] =	ssyncadd.s32 $0xFFFF3800  }
0xb1: {  	_ =	swait.ge [sflag:s19], $0xC800  }
0xb2: {  	[sflag:s19] =	ssyncset.done $0x0  }
0xb3: {  	s25 =	rddreg [dreg:$0x8];
	[sflag:s19] =	ssyncadd.s32 $0xFFFF3800  }
0xb4: {  	[hbm4b:s25+s2] =	stream.linear.scatter [tilespmem:s29], [sflag:$0x3], $0xC800, $0x38;
	[tilespmem:$0x19640] =	vst v63  }
0xb5: {  	_ =	swait.ge [sflag:s10], $0xC800  }
0xb6: {  	s9 =	rddreg [dreg:$0xa]  }
0xb7: {  	s26 =	rddreg [dreg:$0x5];
	s9 =	sadd.s32 $0x1, s9  }
0xb8: {  	p0 =	sne.s32 s9, s26  }
.Ltmp1:
0xb9: {  	s4 =	simm.s32 $0x8440;
	s1 =	simm.s32 $0x6A40;
	(pc) =	sbr.rel @p0 .LBB2_1-.Ltmp1, $4  }
0xba: {  	s0 =	simm.s32 $0x1F8;
	s5 =	simm.s32 $0x258;
	s6 =	simm.s32 $0x9C40  }
0xbb: {  	s7 =	simm.s32 $0x2C0;
	s8 =	simm.s32 $0xB640;
	s21 =	simm.s32 $0xC8  }
0xbc: {  	s22 =	simm.s32 $0x3840;
	s24 =	simm.s32 $0x130;
	[sflag:s10] =	ssyncset.done $0x0  }
0xbd: {  	s25 =	simm.s32 $0x5240;
	[sflag:s10] =	ssyncadd.s32 $0xFFFF3800;
	s26 =	simm.s32 $0x190  }
0xbe: {  	_ =	sfence.sel $0x180000  }
0xbf: {  	[bflag:$0x0] =	sbarrier.arrive $0xFFFF  }
0xc0: {  	_ =	strace $0x90000047  }
0xc1: {  	s0 =	stileid.u32;
	[bflag:$0x2] =	sbarrier.arrive $0xFFFF  }
0xc2: {  	p0 =	sne.s32 s0, $0x0;
	s0 =	rddreg [dreg:$0x2]  }
0xc3: {  	s0 =	sadd.s32 @!p0 $0x100000, s0  }
0xc4: {  	[sflag:s0] =	ssyncadd.tile.s32 @!p0 $0x1;
	_ =	shalt  }
.Lfunc_end2:
_tile_overlayer_lowered:
.L_overlay_start_2:
0xc5: {  	(tag) =	ssettag $0x2  }
0xc6: {  	s0 =	rddreg [dreg:$0x0];
	s2 =	stileid.u32  }
0xc7: {  	s1 =	rddreg [dreg:$0x1];
	p0 =	sne.s32 s2, $0x0  }
0xc8: {  	s3 =	rddreg [dreg:$0x2];
	[bflag:$0x3] =	sbarrier.arrive $0xFFFF;
	s2 =	simm.s32 @!p0 $0x1C03  }
0xc9: {  	[timem:s3], [sflag:s2] =	dma.local @!p0 [hbm:s0], s1  }
0xca: {  	s0 =	simm.s32 @!p0 $0x3  }
0xcb: {  	_ =	swait.ge @!p0 [sflag:s0], s1  }
0xcc: {  	s1 =	ssub.s32 @!p0 $0x0, s1;
	[sflag:s0] =	ssyncset.done @!p0 $0x0  }
0xcd: {  	[sflag:s0] =	ssyncadd.s32 @!p0 s1  }
0xce: {  	[bflag:$0x3] =	sbarrier.arrive $0xFFFF  }
0xcf: {  	_ =	shalt  }

// kernel: sparse-core-data-format-call.cloned.1.call-start
scs
called_computation_lowered:
.L_overlay_start_0:
0x0: {  	s2 =	sld [smem:$0x3FD9]  }
0x1: {  	s3 =	sld [smem:$0x3FFE];
	_ =	sdelay $0x1  }
0x2: {  	s1 =	srdreg.scid  }
0x3: {  	s0 =	sand.u32 $0x1, s1  }
0x4: {  	s18 =	sshll.u32 s0, $0xA;
	s2 =	sadd.s32 s3, s2  }
0x5: {  	s2 =	sadd.s32 s2, s18  }
0x6: {  	[smem:$0x3FC6] =	sst s2  }
0x7: {  	_ = 	snop  }
0x8: {  	s2 =	sld [smem:$0x3FD0];
	(tm) =	ssettm $0x1  }
0x9: {  	s19 =	sld [smem:$0x3FFB];
	_ =	sdelay $0x3  }
0xa: {  	_ =	strace s19  }
0xb: {  	s3 =	sld [smem:$0x3FFC];
	_ =	sdelay $0x3  }
0xc: {  	_ =	strace s3  }
0xd: {  	s3 =	sld [smem:$0x3FFD];
	_ =	sdelay $0x3  }
0xe: {  	_ =	strace s3  }
0xf: {  	_ =	strace $0x8FFFFFFF  }
0x10: {  	s20 =	sld [smem:$0x3FDB];
	_ =	sdelay $0x1  }
0x11: {  	s4 =	simm.s32 $_scs_section_size  }
0x12: {  	s5 =	simm.s32 $_size__tile_overlayer_lowered;
	s6 =	simm.s32 $_tile_overlayer_lowered  }
0x13: {  	s23 =	simm.s32 $0x1BFF;
	s22 =	sshll.u32 s6, $0x1;
	s3 =	sadd.s32 s4, s20  }
0x14: {  	s7 =	simm.s32 $0x0;
	s21 =	sshll.u32 s5, $0x1;
	s5 =	sadd.s32 s22, s3  }
0x15: {  	[timem:s7], [sflag:s23] =	dma.local [hbm:s5], s21  }
0x16: {  	_ =	swait.ge [sflag:s23], s21  }
0x17: {  	s4 =	ssub.s32 $0x0, s21;
	[sflag:s23] =	ssyncset.done $0x0  }
0x18: {  	[sflag:s23] =	ssyncadd.s32 s4;
	_ =	sdelay $0x1  }
0x19: {  	s24 =	simm.s32 $0x1B8B  }
0x1a: {  	_ =	swait.ge [sflag:s24], $0x1  }
0x1b: {  	[sflag:s24] =	ssyncset.done $0x0  }
0x1c: {  	s26 =	simm.s32 $0x1B8E;
	s25 =	sld [smem:$0x3FFE];
	[sflag:s24] =	ssyncadd.s32 $0xFFFFFFFF  }
0x1d: {  	s27 =	simm.s32 $execute0_lowered;
	[smem:$0x3FD2] =	sst s26  }
0x1e: {  	s5 =	sshll.u32 s27, $0x1;
	_ =	strace $0x80000049;
	[dreg:$0x1] =	wrdreg $0xFFFFFFFF  }
0x1f: {  	s28 =	simm.s32 $_size_execute0_lowered;
	s3 =	sadd.s32 s3, s5;
	[dreg:$0x0] =	wrdreg $0x0  }
0x20: {  	s5 =	sshll.u32 s28, $0x1;
	[dreg:$0x2] =	wrdreg s3  }
0x21: {  	[dreg:$0x3] =	wrdreg s5  }
0x22: {  	[dreg:$0x4] =	wrdreg $0xC0  }
0x23: {  	_ =	task [dreg:s7], $0x5FFFF  }
0x24: {  	[dreg:$0x1] =	wrdreg $0xFFFFFFFF  }
0x25: {  	[dreg:$0x0] =	wrdreg $0x60  }
0x26: {  	[dreg:$0x2] =	wrdreg s25  }
0x27: {  	[dreg:$0x3] =	wrdreg s2  }
0x28: {  	[dreg:$0x4] =	wrdreg $0x9  }
0x29: {  	_ =	task.clear_ibuf [dreg:s7], $0x5FFFF;
	_ =	strace $0x90000049  }
0x2a: {  	s29 =	simm.s32 $0x9;
	_ =	strace $0x8000004B  }
0x2b: {  	_ =	swait.ge [sflag:s29], $0x1  }
0x2c: {  	[sflag:s29] =	ssyncadd.s32 $0xFFFFFFFF  }
0x2d: {  	_ =	strace $0x9000004B  }
0x2e: {  	_ =	sfence  }
0x2f: {  	s30 =	sld [smem:$0x0];
	_ =	sdelay $0x2  }
0x30: {  	s31 =	sshll.u32 s1, $0xD;
	s1 =	sshrl.u32 s1, $0x2  }
0x31: {  	s3 =	sand.u32 $0x4000, s31;
	s1 =	sadd.s32 s1, s30  }
0x32: {  	s0 =	sor.u32 s3, s0;
	s1 =	sshll.u32 s1, $0x11  }
0x33: {  	s0 =	sor.u32 s1, s0  }
0x34: {  	s0 =	sadd.s32 $0x8F2B, s0  }
0x35: {  	[sflag:s0] =	ssyncadd.remote.s32 $0x1  }
0x36: {  	_ =	sfence.sel $0xFFFF  }
0x37: {  	[dreg:$0x0] =	wrdreg $0xFFFFFFFF;
	(pc) =	sbr.abs _section_cstart, $3  }
0x38: {  	[dreg:$0x1] =	wrdreg $0xFFFFFFFF  }
0x39: {  	_ =	task.clear_ibuf [dreg:s7], $0x2FFFF;
	_ =	strace $0x9FFFFFFF  }
0x3a: {  	(tm) =	ssettm $0x7FFFFFFF  }
0x3b: {  	_ =	shalt  }
tec
execute0_lowered:
.L_overlay_start_1:
0x0: {  	(tag) =	ssettag $0x1  }
0x1: {  	s0 =	srdreg.scid  }
0x2: {  	s1 =	sshll.u32 s0, $0x4  }
0x3: {  	s0 =	stileid.u32;
	s1 =	sand.u32 $0x10, s1  }
0x4: {  	s1 =	sor.u32 s0, s1  }
0x5: {  	s6 =	rddreg [dreg:$0x0];
	s4 =	simm.s32 $0x1;
	s2 =	sshll.u32 s1, $0x7  }
0x6: {  	s7 =	simm.s32 $0x2;
	s12 =	simm.s32 $0x0;
	s1 =	ssub.s32 $0x1000, s2  }
0x7: {  	s8 =	simm.s32 $0x8000;
	s13 =	simm.s32 $0x0;
	s3 =	sand.u32 $0xF80, s1  }
0x8: {  	s9 =	simm.s32 $0x0;
	s5 =	sshrl.u32 s1, $0xC;
	p0 =	sne.s32 s3, $0x0  }
.Ltmp0:
0x9: {  	s1 =	rddreg [dreg:$0x2];
	s4 =	simm.s32 @!p0 $0x0;
	(pc) =	sbr.rel .LBB1_1-.Ltmp0, $4  }
0xa: {  	s11 =	simm.s32 $0x0;
	s3 =	rddreg [dreg:$0x1];
	s5 =	sadd.s32 s4, s5  }
0xb: {  	_ =	strace $0x8000004A;
	s4 =	simm.s32 $0x1;
	s5 =	smul.u32 $0xC8, s5  }
0xc: {  	s6 =	sadd.s32 $0xA00, s6;
	s10 =	smov.u32 s2;
	[sflag:s4] =	ssyncpa.u1 $0x0  }
0xd: {  	p0 =	por $0x0, $0x0;
	[sflag:s7] =	ssyncpa.u1 $0x0;
	s7 =	sor.u32 $0x1, s5  }
.LBB1_4:
0xe: {  	s16 =	sshll.u32 s13, $0x3;
	s17 =	sand.u32 $0x78, s13  }
0xf: {  	s30 =	sand.u32 $0x7E00, s13;
	s12 =	sshll.u32 s12, $0xF;
	s16 =	sand.u32 $0xC00, s16  }
0x10: {  	[tilespmem:s15+$0x810 ss:$0x81] =	vst.msk $0xffff, v2;
	s31 =	sand.u32 $0x7, s13;
	s16 =	sor.u32 s17, s16;
	s17 =	sadd.s32 s3, s30  }
0x11: {  	[tilespmem:s15+$0x1020 ss:$0x81] =	vst.msk $0xffff, v0;
	s13 =	sshll.u32 s31, $0x12;
	s12 =	sadd.s32 s12, s17;
	s16 =	sshrl.u32 s16, $0x3  }
0x12: {  	[tilespmem:s15+$0x0 ss:$0x81] =	vst.msk $0xffff, v1;
	s13 =	sor.u32 $0x400, s13;
	s12 =	sadd.s32 s16, s12  }
0x13: {  	[hbm4b:s12+s13] =	stream.strided.scatter [tilespmem:s14], [sflag:$0x2], $0x2000, s8, s13, $0x20;
	[tilespmem:$0x8080] =	vst v63  }
.LBB1_5:
0x14: {  	s14 =	sadd.s32 $0x1, s9  }
0x15: {  	s12 =	sadd.s32 $0x1000, s10;
	s16 =	smov.u32 s10;
	p2 =	sgt.s32 s14, $0xC7  }
0x16: {  	s16 =	smov.u32 @p2 s12  }
0x17: {  	s14 =	simm.s32 @p2 $0x0;
	p2 =	sgt.s32 s16, $0xFFF  }
0x18: {  	s16 =	smov.u32 @p2 s2;
	p2 =	sne.s32 s11, s7  }
.Ltmp1:
0x19: {  	p1 =	slt.u32 s11, $0x2;
	(pc) =	sbr.rel @!p2 .LBB1_6-.Ltmp1, $4  }
0x1a: {  	s15 =	simm.s32 @!p1 $0x2  }
0x1b: {  	s13 =	smov.u32 s10;
	p0 =	por !p0, !p0;
	_ =	swait.ge @!p1 [sflag:s15], $0x2000  }
0x1c: {  	s12 =	smov.u32 s9;
	[sflag:s15] =	ssyncset.done @!p1 $0x0;
	s9 =	smov.u32 s14  }
0x1d: {  	s11 =	sadd.s32 $0x1, s11;
	[sflag:s15] =	ssyncadd.s32 @!p1 $0xFFFFE000;
	s10 =	smov.u32 s16  }
.LBB1_1:
0x1e: {  	p1 =	sge.u32 s11, s5  }
0x1f: {  	s14 =	sand.u32 @!p1 $0x1FFFFFF, s9  }
0x20: {  	s15 =	smulhi.u32 @!p1 $0x147AE15, s14;
	_ =	sdelay $0x1  }
0x21: {  	s15 =	smul.u32 @!p1 $0xC8, s15  }
0x22: {  	s16 =	sxor.u32 @!p1 $0xFFFFFFFF, s11;
	s17 =	smul.u32 @!p1 $0xC80, s10  }
0x23: {  	s31 =	sadd.s32 $0xFFFFFFFF, s11;
	s16 =	sshll.u32 @!p1 s16, $0xD;
	s14 =	ssub.s32 @!p1 s14, s15  }
0x24: {  	s15 =	sand.u32 @!p1 $0x2000, s16;
	s16 =	sadd.s32 @!p1 s6, s17;
	s14 =	sshll.u32 @!p1 s14, $0x4  }
0x25: {  	s17 =	simm.s32 @!p1 $0x6400;
	s14 =	sadd.s32 @!p1 s14, s16;
	s16 =	simm.s32 @!p1 $0x40  }
0x26: {  	[tilespmem:s15], [sflag:$0x1] =	stream.strided.gather @!p1 [hbm4b:s14+s16], $0x2000, s17, s16, $0x38;
	[tilespmem:$0x8080] =	vst v63  }
0x27: {  	p1 =	sge.u32 s31, s5  }
.Ltmp2:
0x28: {  	_ = 	snop;
	(pc) =	sbr.rel @p1 .LBB1_5-.Ltmp2, $1  }
0x29: {  	_ =	sdelay $0x3  }
0x2a: {  	s14 =	simm.s32 $0x1  }
0x2b: {  	_ =	swait.ge [sflag:s4], $0x2000;
	s14 =	simm.s32 @!p0 $0x0  }
0x2c: {  	[sflag:s4] =	ssyncset.done $0x0;
	s15 =	sshll.u32 s14, $0xD  }
0x2d: {  	[sflag:s4] =	ssyncadd.s32 $0xFFFFE000;
	s18 =	sor.u32 $0x20, s15  }
0x2e: {  	s14 =	smul.u32 $0x8100, s14;
	v3 =	vld [tilespmem:s18+$0x10]  }
0x2f: {  	s30 =	sand.u32 $0x1, s11;
	v2 =	vld [tilespmem:s18+$0xFFFFFFF0]  }
0x30: {  	s15 =	smul.u32 $0x8100, s30;
	s14 =	sshrl.u32 s14, $0x2;
	v0 =	vld [tilespmem:s18+$0x0]  }
0x31: {  	v1 =	vld [tilespmem:s18+$0xFFFFFFE0];
	s16 =	sor.u32 $0x4000, s14  }
0x32: {  	s31 =	sshrl.u32 s15, $0x2;
	s15 =	sadd.s32 $0x0, s16  }
0x33: {  	s17 =	simm.s32 $0x4;
	s18 =	sadd.s32 $0x40, s18;
	s14 =	sor.u32 $0x4000, s31;
	[tilespmem:s15+$0x1830 ss:$0x81] =	vst.msk $0xffff, v3  }
.LBB1_3:
0x34: {  	v3 =	vld [tilespmem:s18+$0x10];
	p1 =	sne.s32 s17, $0x1FC;
	[tilespmem:s15+$0x810 ss:$0x81] =	vst.msk $0xffff, v2;
	s19 =	smov.u32 s17;
	s17 =	sadd.s32 $0x4, s17  }
.Ltmp3:
0x35: {  	v2 =	vld [tilespmem:s18+$0xFFFFFFF0];
	[tilespmem:s15+$0x1020 ss:$0x81] =	vst.msk $0xffff, v0;
	(pc) =	sbr.rel @p1 .LBB1_3-.Ltmp3, $4  }
0x36: {  	v0 =	vld [tilespmem:s18+$0x0];
	[tilespmem:s15+$0x0 ss:$0x81] =	vst.msk $0xffff, v1  }
0x37: {  	s15 =	sshra.s32 s19, $0x2;
	v1 =	vld [tilespmem:s18+$0xFFFFFFE0]  }
0x38: {  	s15 =	sadd.s32 s15, s16  }
0x39: {  	s18 =	sadd.s32 $0x40, s18;
	[tilespmem:s15+$0x1830 ss:$0x81] =	vst.msk $0xffff, v3  }
.Ltmp4:
0x3a: {  	_ = 	snop;
	(pc) =	sbr.rel .LBB1_4-.Ltmp4, $1  }
0x3b: {  	_ =	sdelay $0x3  }
.LBB1_6:
0x3c: {  	_ =	sfence.sel $0x180000  }
0x3d: {  	s2 =	simm.s32 $0x1;
	[bflag:$0x0] =	sbarrier.arrive $0xFFFF  }
0x3e: {  	s31 =	simm.s32 $0x2;
	[sflag:s2] =	ssyncpa.u1 $0x1  }
0x3f: {  	[sflag:s31] =	ssyncpa.u1 $0x1  }
0x40: {  	p0 =	sne.s32 s0, $0x0;
	_ =	strace $0x9000004A  }
0x41: {  	s0 =	sadd.s32 @!p0 $0x100000, s1;
	[bflag:$0x2] =	sbarrier.arrive $0xFFFF  }
0x42: {  	[sflag:s0] =	ssyncadd.tile.s32 @!p0 $0x1;
	_ =	shalt  }
.Lfunc_end1:
_tile_overlayer_lowered:
.L_overlay_start_2:
0x43: {  	(tag) =	ssettag $0x2  }
0x44: {  	s0 =	rddreg [dreg:$0x0];
	s2 =	stileid.u32  }
0x45: {  	s1 =	rddreg [dreg:$0x1];
	p0 =	sne.s32 s2, $0x0  }
0x46: {  	s3 =	rddreg [dreg:$0x2];
	[bflag:$0x3] =	sbarrier.arrive $0xFFFF;
	s2 =	simm.s32 @!p0 $0x1C01  }
0x47: {  	[timem:s3], [sflag:s2] =	dma.local @!p0 [hbm:s0], s1  }
0x48: {  	s0 =	simm.s32 @!p0 $0x1  }
0x49: {  	_ =	swait.ge @!p0 [sflag:s0], s1  }
0x4a: {  	s1 =	ssub.s32 @!p0 $0x0, s1;
	[sflag:s0] =	ssyncset.done @!p0 $0x0  }
0x4b: {  	[sflag:s0] =	ssyncadd.s32 @!p0 s1  }
0x4c: {  	[bflag:$0x3] =	sbarrier.arrive $0xFFFF  }
0x4d: {  	_ =	shalt  }

</sc_bundles>
